<compile_context>
chip_gen: v7x
topology: tpu7x:2x2x1
jax: 0.10.2.dev20260603
libtpu: 0.0.44.dev20260713+nightly
codegen_flags: <defaults>
</compile_context>

<pallas_src>
import functools

import jax
import jax.numpy as jnp
from jax import lax
from jax.experimental import pallas as pl
from jax.experimental.pallas import tpu as pltpu
from jax.experimental.pallas import tpu_sc as plsc

B = 16384
K = 16
L = 16
NC = 2
NS = 16
NW = NC * NS
BPW = B // NW
NCH = 4
CHUNK = BPW // NCH
NJC = CHUNK // L


def _body(gu_hbm, gi_hbm, users_hbm, items_hbm, bu_hbm, bi_hbm, mu_hbm,
          out_hbm, gu0, gi0, gu1, gi1, iu_v, ii_v, bu_v, bi_v, mu_v, out_v,
          semb, sem0, sem1):
    wid = lax.axis_index("s") * NC + lax.axis_index("c")
    base = wid * BPW

    pltpu.sync_copy(users_hbm.at[pl.ds(base, BPW)], iu_v)
    pltpu.sync_copy(items_hbm.at[pl.ds(base, BPW)], ii_v)
    cp_u = pltpu.async_copy(bu_hbm.at[iu_v], bu_v, semb)
    cp_i = pltpu.async_copy(bi_hbm.at[ii_v], bi_v, semb)

    gbufs = (gu0, gu1)
    ibufs = (gi0, gi1)
    sems = (sem0, sem1)

    def start(ch):
        cbase = base + ch * CHUNK
        s = sems[ch % 2]
        return (pltpu.async_copy(gu_hbm.at[pl.ds(cbase, CHUNK), :],
                                 gbufs[ch % 2], s),
                pltpu.async_copy(gi_hbm.at[pl.ds(cbase, CHUNK), :],
                                 ibufs[ch % 2], s))

    pend = start(0)
    pltpu.sync_copy(mu_hbm, mu_v)
    cp_u.wait()
    cp_i.wait()

    mu = mu_v[...]
    lane = lax.iota(jnp.int32, L)

    for ch in range(NCH):
        nxt = start(ch + 1) if ch + 1 < NCH else None
        pend[0].wait()
        pend[1].wait()
        gu_v = gbufs[ch % 2]
        gi_v = ibufs[ch % 2]

        def group(j, carry, gu_v=gu_v, gi_v=gi_v, ch=ch):
            rows = j * L + lane
            acc = jnp.zeros((L,), jnp.float32)
            for k in range(K):
                cols = jnp.full((L,), k, jnp.int32)
                a = plsc.load_gather(gu_v, [rows, cols])
                b = plsc.load_gather(gi_v, [rows, cols])
                acc = acc + a * b
            off = ch * CHUNK + j * L
            bu = bu_v[pl.ds(off, L)]
            bi = bi_v[pl.ds(off, L)]
            out_v[pl.ds(off, L)] = acc + bu + bi + mu
            return carry

        lax.fori_loop(0, NJC, group, 0)
        pend = nxt

    pltpu.sync_copy(out_v, out_hbm.at[pl.ds(base, BPW)])


@jax.jit
def _run(gu, gi, users, items, bu_flat, bi_flat, mu_b):
    mesh = plsc.VectorSubcoreMesh(core_axis_name="c", subcore_axis_name="s")
    f = functools.partial(
        pl.kernel,
        mesh=mesh,
        out_type=jax.ShapeDtypeStruct((B,), jnp.float32),
        scratch_types=[
            pltpu.VMEM((CHUNK, K), jnp.float32),
            pltpu.VMEM((CHUNK, K), jnp.float32),
            pltpu.VMEM((CHUNK, K), jnp.float32),
            pltpu.VMEM((CHUNK, K), jnp.float32),
            pltpu.VMEM((BPW,), jnp.int32),
            pltpu.VMEM((BPW,), jnp.int32),
            pltpu.VMEM((BPW,), jnp.float32),
            pltpu.VMEM((BPW,), jnp.float32),
            pltpu.VMEM((L,), jnp.float32),
            pltpu.VMEM((BPW,), jnp.float32),
            pltpu.SemaphoreType.DMA,
            pltpu.SemaphoreType.DMA,
            pltpu.SemaphoreType.DMA,
        ],
        compiler_params=pltpu.CompilerParams(needs_layout_passes=False),
    )(_body)
    return f(gu, gi, users, items, bu_flat, bi_flat, mu_b)


def kernel(gu, gi, users, items, Bu, Bi, Mu):
    mu_b = jnp.broadcast_to(Mu.reshape(()), (L,))
    return _run(gu, gi, users.astype(jnp.int32), items.astype(jnp.int32),
                Bu.reshape(-1), Bi.reshape(-1), mu_b)

# --- scband reference (transcript-rebuilt; emitter-appended) ---
"""Pipeline reference for scband-uuiimfmodel-87153476370689 (READ-ONLY COPY).

The authoritative reference and input builder live on the scoring server;
editing this copy changes nothing except your own understanding.
"""

import jax, jax.numpy as jnp
import numpy as np

NUM_USERS = 1000000
NUM_ITEMS = 1000000
EMBED_K = 16
BATCH = 16384


def setup_inputs(seed: int = 0) -> dict:
    key = jax.random.key(seed)
    k1, k2, k3, k4, k5, k6, k7 = jax.random.split(key, 7)
    gu = jax.random.normal(k1, (BATCH, EMBED_K), dtype=jnp.float32)
    gi = jax.random.normal(k2, (BATCH, EMBED_K), dtype=jnp.float32)
    users = jax.random.randint(k3, (BATCH,), 0, NUM_USERS, dtype=jnp.int64 if jax.config.jax_enable_x64 else jnp.int32)
    items = jax.random.randint(k4, (BATCH,), 0, NUM_ITEMS, dtype=jnp.int64 if jax.config.jax_enable_x64 else jnp.int32)
    # learned parameters (bias embedding tables + global offset), xavier-normal-like init
    Bu = jax.random.normal(k5, (NUM_USERS, 1), dtype=jnp.float32) * float(np.sqrt(2.0 / (NUM_USERS + 1)))
    Bi = jax.random.normal(k6, (NUM_ITEMS, 1), dtype=jnp.float32) * float(np.sqrt(2.0 / (NUM_ITEMS + 1)))
    Mu = jax.random.normal(k7, (1, 1), dtype=jnp.float32)
    return {"gu": gu, "gi": gi, "users": users, "items": items, "Bu": Bu, "Bi": Bi, "Mu": Mu}


def reference(gu, gi, users, items, Bu, Bi, Mu):
    # Faithful translation of UUIIMFModel.forward:
    # rui = sum(gamma_u * gamma_i, dim=1) + beta_u + beta_i + mu
    gamma_u = jnp.squeeze(gu)
    gamma_i = jnp.squeeze(gi)
    beta_u = jnp.squeeze(jnp.take(Bu, users, axis=0))  # gather from user bias table
    beta_i = jnp.squeeze(jnp.take(Bi, items, axis=0))  # gather from item bias table
    mu = jnp.squeeze(Mu)
    rui = jnp.sum(gamma_u * gamma_i, axis=1) + beta_u + beta_i + mu
    return rui

if __name__ == "__main__":
    import jax
    _d = setup_inputs()
    print(jax.jit(kernel)(*tuple(_d.values())))

</pallas_src>

<mosaic_0001>
#map = affine_map<(d0, d1) -> (0, 0)>
#map1 = affine_map<(d0, d1) -> (0)>
module attributes {stable_mosaic.version = 14 : i64} {
  func.func @_body(%arg0: i32, %arg1: i32, %arg2: memref<16384x16xf32, #tpu.memory_space<hbm>>, %arg3: memref<16384x16xf32, #tpu.memory_space<hbm>>, %arg4: memref<16384xi32, #tpu.memory_space<hbm>>, %arg5: memref<16384xi32, #tpu.memory_space<hbm>>, %arg6: memref<1000000xf32, #tpu.memory_space<hbm>>, %arg7: memref<1000000xf32, #tpu.memory_space<hbm>>, %arg8: memref<16xf32, #tpu.memory_space<hbm>>, %arg9: memref<16384xf32, #tpu.memory_space<hbm>>, %arg10: memref<128x16xf32, #tpu.memory_space<vmem>>, %arg11: memref<128x16xf32, #tpu.memory_space<vmem>>, %arg12: memref<128x16xf32, #tpu.memory_space<vmem>>, %arg13: memref<128x16xf32, #tpu.memory_space<vmem>>, %arg14: memref<512xi32, #tpu.memory_space<vmem>>, %arg15: memref<512xi32, #tpu.memory_space<vmem>>, %arg16: memref<512xf32, #tpu.memory_space<vmem>>, %arg17: memref<512xf32, #tpu.memory_space<vmem>>, %arg18: memref<16xf32, #tpu.memory_space<vmem>>, %arg19: memref<512xf32, #tpu.memory_space<vmem>>, %arg20: memref<!tpu.dma_semaphore, #tpu.memory_space<semaphore_mem>>, %arg21: memref<!tpu.dma_semaphore, #tpu.memory_space<semaphore_mem>>, %arg22: memref<!tpu.dma_semaphore, #tpu.memory_space<semaphore_mem>>) attributes {dimension_semantics = [#tpu.dimension_semantics<core_parallel>, #tpu.dimension_semantics<subcore_parallel>], iteration_bounds = array<i64: 2, 16>, scalar_prefetch = 0 : i64, scratch_operands = 13 : i64, tpu.core_type = #tpu.core_type<sc_vector_subcore>, window_params = [{transform_indices = #map}, {transform_indices = #map}, {transform_indices = #map1}, {transform_indices = #map1}, {transform_indices = #map1}, {transform_indices = #map1}, {transform_indices = #map1}, {transform_indices = #map1}]} {
    %mul3A = arith.constant 2 : i32
    %mul3A_0 = arith.muli %arg1, %mul3A : i32
    %add3A = arith.addi %mul3A_0, %arg0 : i32
    %mul3A_1 = arith.constant 512 : i32
    %mul3A_2 = arith.muli %add3A, %mul3A_1 : i32
    "tpu.region"() ({
      %run_scoped3A = tpu.sem_alloc : memref<!tpu.dma_semaphore, #tpu.memory_space<semaphore_mem>>
      %dma_start3A_105 = tpu.memref_slice %arg4[%mul3A_2] : memref<16384xi32, #tpu.memory_space<hbm>> -> memref<512xi32, #tpu.memory_space<hbm>>
      %dma_start3A_106 = tpu.memref_slice %arg4[%mul3A_2] : memref<16384xi32, #tpu.memory_space<hbm>> -> memref<512xi32, #tpu.memory_space<hbm>>
      tpu.enqueue_dma source(%dma_start3A_106 : memref<512xi32, #tpu.memory_space<hbm>>) target(%arg14 : memref<512xi32, #tpu.memory_space<vmem>>) target_semaphore(%run_scoped3A : memref<!tpu.dma_semaphore, #tpu.memory_space<semaphore_mem>>)
      %dma_wait3A_107 = tpu.memref_slice %arg4[%mul3A_2] : memref<16384xi32, #tpu.memory_space<hbm>> -> memref<512xi32, #tpu.memory_space<hbm>>
      %dma_wait3A_108 = tpu.memref_slice %arg4[%mul3A_2] : memref<16384xi32, #tpu.memory_space<hbm>> -> memref<512xi32, #tpu.memory_space<hbm>>
      tpu.wait_dma2 semaphore(%run_scoped3A : memref<!tpu.dma_semaphore, #tpu.memory_space<semaphore_mem>>) src(%dma_wait3A_108 : memref<512xi32, #tpu.memory_space<hbm>>) dst(%arg14 : memref<512xi32, #tpu.memory_space<vmem>>)
      tpu.yield
    }) : () -> ()
    "tpu.region"() ({
      %run_scoped3A = tpu.sem_alloc : memref<!tpu.dma_semaphore, #tpu.memory_space<semaphore_mem>>
      %dma_start3A_105 = tpu.memref_slice %arg5[%mul3A_2] : memref<16384xi32, #tpu.memory_space<hbm>> -> memref<512xi32, #tpu.memory_space<hbm>>
      %dma_start3A_106 = tpu.memref_slice %arg5[%mul3A_2] : memref<16384xi32, #tpu.memory_space<hbm>> -> memref<512xi32, #tpu.memory_space<hbm>>
      tpu.enqueue_dma source(%dma_start3A_106 : memref<512xi32, #tpu.memory_space<hbm>>) target(%arg15 : memref<512xi32, #tpu.memory_space<vmem>>) target_semaphore(%run_scoped3A : memref<!tpu.dma_semaphore, #tpu.memory_space<semaphore_mem>>)
      %dma_wait3A_107 = tpu.memref_slice %arg5[%mul3A_2] : memref<16384xi32, #tpu.memory_space<hbm>> -> memref<512xi32, #tpu.memory_space<hbm>>
      %dma_wait3A_108 = tpu.memref_slice %arg5[%mul3A_2] : memref<16384xi32, #tpu.memory_space<hbm>> -> memref<512xi32, #tpu.memory_space<hbm>>
      tpu.wait_dma2 semaphore(%run_scoped3A : memref<!tpu.dma_semaphore, #tpu.memory_space<semaphore_mem>>) src(%dma_wait3A_108 : memref<512xi32, #tpu.memory_space<hbm>>) dst(%arg15 : memref<512xi32, #tpu.memory_space<vmem>>)
      tpu.yield
    }) : () -> ()
    %dma_start3A = arith.constant 0 : i32
    %dma_start3A_3 = tpu.memref_slice %arg6[%dma_start3A] : memref<1000000xf32, #tpu.memory_space<hbm>> -> memref<1000000xf32, #tpu.memory_space<hbm>>
    tpu.enqueue_indirect_dma source(%dma_start3A_3 : memref<1000000xf32, #tpu.memory_space<hbm>>) target(%arg16 : memref<512xf32, #tpu.memory_space<vmem>>) offsets(%arg14 : memref<512xi32, #tpu.memory_space<vmem>>) semaphore(%arg20 : memref<!tpu.dma_semaphore, #tpu.memory_space<semaphore_mem>>)
    %dma_start3A_4 = arith.constant 0 : i32
    %dma_start3A_5 = tpu.memref_slice %arg7[%dma_start3A_4] : memref<1000000xf32, #tpu.memory_space<hbm>> -> memref<1000000xf32, #tpu.memory_space<hbm>>
    tpu.enqueue_indirect_dma source(%dma_start3A_5 : memref<1000000xf32, #tpu.memory_space<hbm>>) target(%arg17 : memref<512xf32, #tpu.memory_space<vmem>>) offsets(%arg15 : memref<512xi32, #tpu.memory_space<vmem>>) semaphore(%arg20 : memref<!tpu.dma_semaphore, #tpu.memory_space<semaphore_mem>>)
    %add3A_6 = arith.constant 0 : i32
    %add3A_7 = arith.addi %mul3A_2, %add3A_6 : i32
    %dma_start3A_8 = arith.constant 0 : i32
    %dma_start3A_9 = tpu.memref_slice %arg2[%add3A_7, %dma_start3A_8] : memref<16384x16xf32, #tpu.memory_space<hbm>> -> memref<128x16xf32, #tpu.memory_space<hbm>>
    %dma_start3A_10 = arith.constant 0 : i32
    %dma_start3A_11 = tpu.memref_slice %arg2[%add3A_7, %dma_start3A_10] : memref<16384x16xf32, #tpu.memory_space<hbm>> -> memref<128x16xf32, #tpu.memory_space<hbm>>
    tpu.enqueue_dma source(%dma_start3A_11 : memref<128x16xf32, #tpu.memory_space<hbm>>) target(%arg10 : memref<128x16xf32, #tpu.memory_space<vmem>>) target_semaphore(%arg21 : memref<!tpu.dma_semaphore, #tpu.memory_space<semaphore_mem>>)
    %dma_start3A_12 = arith.constant 0 : i32
    %dma_start3A_13 = tpu.memref_slice %arg3[%add3A_7, %dma_start3A_12] : memref<16384x16xf32, #tpu.memory_space<hbm>> -> memref<128x16xf32, #tpu.memory_space<hbm>>
    %dma_start3A_14 = arith.constant 0 : i32
    %dma_start3A_15 = tpu.memref_slice %arg3[%add3A_7, %dma_start3A_14] : memref<16384x16xf32, #tpu.memory_space<hbm>> -> memref<128x16xf32, #tpu.memory_space<hbm>>
    tpu.enqueue_dma source(%dma_start3A_15 : memref<128x16xf32, #tpu.memory_space<hbm>>) target(%arg11 : memref<128x16xf32, #tpu.memory_space<vmem>>) target_semaphore(%arg21 : memref<!tpu.dma_semaphore, #tpu.memory_space<semaphore_mem>>)
    "tpu.region"() ({
      %run_scoped3A = tpu.sem_alloc : memref<!tpu.dma_semaphore, #tpu.memory_space<semaphore_mem>>
      tpu.enqueue_dma source(%arg8 : memref<16xf32, #tpu.memory_space<hbm>>) target(%arg18 : memref<16xf32, #tpu.memory_space<vmem>>) target_semaphore(%run_scoped3A : memref<!tpu.dma_semaphore, #tpu.memory_space<semaphore_mem>>)
      tpu.wait_dma2 semaphore(%run_scoped3A : memref<!tpu.dma_semaphore, #tpu.memory_space<semaphore_mem>>) src(%arg8 : memref<16xf32, #tpu.memory_space<hbm>>) dst(%arg18 : memref<16xf32, #tpu.memory_space<vmem>>)
      tpu.yield
    }) : () -> ()
    %dma_wait3A = arith.constant 0 : i32
    %dma_wait3A_16 = tpu.memref_slice %arg6[%dma_wait3A] : memref<1000000xf32, #tpu.memory_space<hbm>> -> memref<1000000xf32, #tpu.memory_space<hbm>>
    tpu.wait_indirect_dma semaphore(%arg20 : memref<!tpu.dma_semaphore, #tpu.memory_space<semaphore_mem>>) src(%dma_wait3A_16 : memref<1000000xf32, #tpu.memory_space<hbm>>) dst(%arg16 : memref<512xf32, #tpu.memory_space<vmem>>)
    %dma_wait3A_17 = arith.constant 0 : i32
    %dma_wait3A_18 = tpu.memref_slice %arg7[%dma_wait3A_17] : memref<1000000xf32, #tpu.memory_space<hbm>> -> memref<1000000xf32, #tpu.memory_space<hbm>>
    tpu.wait_indirect_dma semaphore(%arg20 : memref<!tpu.dma_semaphore, #tpu.memory_space<semaphore_mem>>) src(%dma_wait3A_18 : memref<1000000xf32, #tpu.memory_space<hbm>>) dst(%arg17 : memref<512xf32, #tpu.memory_space<vmem>>)
    %get3A = arith.constant 0 : index
    %get3A_19 = tpu.vector_load %arg18[%get3A] {strides = array<i32>} : memref<16xf32, #tpu.memory_space<vmem>>, vector<16xf32>,
    %iota3A = tpu.iota {dimensions = array<i32: 0>} : vector<16xi32>
    %add3A_20 = arith.constant 128 : i32
    %add3A_21 = arith.addi %mul3A_2, %add3A_20 : i32
    %dma_start3A_22 = arith.constant 0 : i32
    %dma_start3A_23 = tpu.memref_slice %arg2[%add3A_21, %dma_start3A_22] : memref<16384x16xf32, #tpu.memory_space<hbm>> -> memref<128x16xf32, #tpu.memory_space<hbm>>
    %dma_start3A_24 = arith.constant 0 : i32
    %dma_start3A_25 = tpu.memref_slice %arg2[%add3A_21, %dma_start3A_24] : memref<16384x16xf32, #tpu.memory_space<hbm>> -> memref<128x16xf32, #tpu.memory_space<hbm>>
    tpu.enqueue_dma source(%dma_start3A_25 : memref<128x16xf32, #tpu.memory_space<hbm>>) target(%arg12 : memref<128x16xf32, #tpu.memory_space<vmem>>) target_semaphore(%arg22 : memref<!tpu.dma_semaphore, #tpu.memory_space<semaphore_mem>>)
    %dma_start3A_26 = arith.constant 0 : i32
    %dma_start3A_27 = tpu.memref_slice %arg3[%add3A_21, %dma_start3A_26] : memref<16384x16xf32, #tpu.memory_space<hbm>> -> memref<128x16xf32, #tpu.memory_space<hbm>>
    %dma_start3A_28 = arith.constant 0 : i32
    %dma_start3A_29 = tpu.memref_slice %arg3[%add3A_21, %dma_start3A_28] : memref<16384x16xf32, #tpu.memory_space<hbm>> -> memref<128x16xf32, #tpu.memory_space<hbm>>
    tpu.enqueue_dma source(%dma_start3A_29 : memref<128x16xf32, #tpu.memory_space<hbm>>) target(%arg13 : memref<128x16xf32, #tpu.memory_space<vmem>>) target_semaphore(%arg22 : memref<!tpu.dma_semaphore, #tpu.memory_space<semaphore_mem>>)
    %dma_wait3A_30 = arith.constant 0 : i32
    %dma_wait3A_31 = tpu.memref_slice %arg2[%add3A_7, %dma_wait3A_30] : memref<16384x16xf32, #tpu.memory_space<hbm>> -> memref<128x16xf32, #tpu.memory_space<hbm>>
    %dma_wait3A_32 = arith.constant 0 : i32
    %dma_wait3A_33 = tpu.memref_slice %arg2[%add3A_7, %dma_wait3A_32] : memref<16384x16xf32, #tpu.memory_space<hbm>> -> memref<128x16xf32, #tpu.memory_space<hbm>>
    tpu.wait_dma2 semaphore(%arg21 : memref<!tpu.dma_semaphore, #tpu.memory_space<semaphore_mem>>) src(%dma_wait3A_33 : memref<128x16xf32, #tpu.memory_space<hbm>>) dst(%arg10 : memref<128x16xf32, #tpu.memory_space<vmem>>)
    %dma_wait3A_34 = arith.constant 0 : i32
    %dma_wait3A_35 = tpu.memref_slice %arg3[%add3A_7, %dma_wait3A_34] : memref<16384x16xf32, #tpu.memory_space<hbm>> -> memref<128x16xf32, #tpu.memory_space<hbm>>
    %dma_wait3A_36 = arith.constant 0 : i32
    %dma_wait3A_37 = tpu.memref_slice %arg3[%add3A_7, %dma_wait3A_36] : memref<16384x16xf32, #tpu.memory_space<hbm>> -> memref<128x16xf32, #tpu.memory_space<hbm>>
    tpu.wait_dma2 semaphore(%arg21 : memref<!tpu.dma_semaphore, #tpu.memory_space<semaphore_mem>>) src(%dma_wait3A_37 : memref<128x16xf32, #tpu.memory_space<hbm>>) dst(%arg11 : memref<128x16xf32, #tpu.memory_space<vmem>>)
    %scan3A = arith.constant 0 : i32
    %scan3A_38 = arith.constant 0 : i32
    %scan3A_39 = arith.constant 8 : i32
    %scan3A_40 = arith.addi %scan3A_38, %scan3A_39 : i32
    %scan3A_41 = arith.constant 1 : i32
    scf.for %scan3A_105 = %scan3A_38 to %scan3A_40 step %scan3A_41  : i32 {
      %mul3A_106 = arith.constant 16 : i32
      %mul3A_107 = arith.muli %scan3A_105, %mul3A_106 : i32
      %add3A_108 = vector.broadcast %mul3A_107 : i32 to vector<16xi32>
      %add3A_109 = arith.addi %add3A_108, %iota3A : vector<16xi32>
      %broadcast_in_dim3A = arith.constant 0.000000e+00 : f32
      %broadcast_in_dim3A_110 = vector.broadcast %broadcast_in_dim3A : f32 to vector<16xf32>
      %broadcast_in_dim3A_111 = arith.constant 0 : i32
      %broadcast_in_dim3A_112 = vector.broadcast %broadcast_in_dim3A_111 : i32 to vector<16xi32>
      %gather3A = tpu.vector_load_idx %arg10[%add3A_109, %broadcast_in_dim3A_112] : memref<128x16xf32, #tpu.memory_space<vmem>>[vector<16xi32>, vector<16xi32>], vector<16xf32>,
      %gather3A_113 = tpu.vector_load_idx %arg11[%add3A_109, %broadcast_in_dim3A_112] : memref<128x16xf32, #tpu.memory_space<vmem>>[vector<16xi32>, vector<16xi32>], vector<16xf32>,
      %mul3A_114 = arith.mulf %gather3A, %gather3A_113 : vector<16xf32>
      %add3A_115 = arith.addf %broadcast_in_dim3A_110, %mul3A_114 : vector<16xf32>
      %broadcast_in_dim3A_116 = arith.constant 1 : i32
      %broadcast_in_dim3A_117 = vector.broadcast %broadcast_in_dim3A_116 : i32 to vector<16xi32>
      %gather3A_118 = tpu.vector_load_idx %arg10[%add3A_109, %broadcast_in_dim3A_117] : memref<128x16xf32, #tpu.memory_space<vmem>>[vector<16xi32>, vector<16xi32>], vector<16xf32>,
      %gather3A_119 = tpu.vector_load_idx %arg11[%add3A_109, %broadcast_in_dim3A_117] : memref<128x16xf32, #tpu.memory_space<vmem>>[vector<16xi32>, vector<16xi32>], vector<16xf32>,
      %mul3A_120 = arith.mulf %gather3A_118, %gather3A_119 : vector<16xf32>
      %add3A_121 = arith.addf %add3A_115, %mul3A_120 : vector<16xf32>
      %broadcast_in_dim3A_122 = arith.constant 2 : i32
      %broadcast_in_dim3A_123 = vector.broadcast %broadcast_in_dim3A_122 : i32 to vector<16xi32>
      %gather3A_124 = tpu.vector_load_idx %arg10[%add3A_109, %broadcast_in_dim3A_123] : memref<128x16xf32, #tpu.memory_space<vmem>>[vector<16xi32>, vector<16xi32>], vector<16xf32>,
      %gather3A_125 = tpu.vector_load_idx %arg11[%add3A_109, %broadcast_in_dim3A_123] : memref<128x16xf32, #tpu.memory_space<vmem>>[vector<16xi32>, vector<16xi32>], vector<16xf32>,
      %mul3A_126 = arith.mulf %gather3A_124, %gather3A_125 : vector<16xf32>
      %add3A_127 = arith.addf %add3A_121, %mul3A_126 : vector<16xf32>
      %broadcast_in_dim3A_128 = arith.constant 3 : i32
      %broadcast_in_dim3A_129 = vector.broadcast %broadcast_in_dim3A_128 : i32 to vector<16xi32>
      %gather3A_130 = tpu.vector_load_idx %arg10[%add3A_109, %broadcast_in_dim3A_129] : memref<128x16xf32, #tpu.memory_space<vmem>>[vector<16xi32>, vector<16xi32>], vector<16xf32>,
      %gather3A_131 = tpu.vector_load_idx %arg11[%add3A_109, %broadcast_in_dim3A_129] : memref<128x16xf32, #tpu.memory_space<vmem>>[vector<16xi32>, vector<16xi32>], vector<16xf32>,
      %mul3A_132 = arith.mulf %gather3A_130, %gather3A_131 : vector<16xf32>
      %add3A_133 = arith.addf %add3A_127, %mul3A_132 : vector<16xf32>
      %broadcast_in_dim3A_134 = arith.constant 4 : i32
      %broadcast_in_dim3A_135 = vector.broadcast %broadcast_in_dim3A_134 : i32 to vector<16xi32>
      %gather3A_136 = tpu.vector_load_idx %arg10[%add3A_109, %broadcast_in_dim3A_135] : memref<128x16xf32, #tpu.memory_space<vmem>>[vector<16xi32>, vector<16xi32>], vector<16xf32>,
      %gather3A_137 = tpu.vector_load_idx %arg11[%add3A_109, %broadcast_in_dim3A_135] : memref<128x16xf32, #tpu.memory_space<vmem>>[vector<16xi32>, vector<16xi32>], vector<16xf32>,
      %mul3A_138 = arith.mulf %gather3A_136, %gather3A_137 : vector<16xf32>
      %add3A_139 = arith.addf %add3A_133, %mul3A_138 : vector<16xf32>
      %broadcast_in_dim3A_140 = arith.constant 5 : i32
      %broadcast_in_dim3A_141 = vector.broadcast %broadcast_in_dim3A_140 : i32 to vector<16xi32>
      %gather3A_142 = tpu.vector_load_idx %arg10[%add3A_109, %broadcast_in_dim3A_141] : memref<128x16xf32, #tpu.memory_space<vmem>>[vector<16xi32>, vector<16xi32>], vector<16xf32>,
      %gather3A_143 = tpu.vector_load_idx %arg11[%add3A_109, %broadcast_in_dim3A_141] : memref<128x16xf32, #tpu.memory_space<vmem>>[vector<16xi32>, vector<16xi32>], vector<16xf32>,
      %mul3A_144 = arith.mulf %gather3A_142, %gather3A_143 : vector<16xf32>
      %add3A_145 = arith.addf %add3A_139, %mul3A_144 : vector<16xf32>
      %broadcast_in_dim3A_146 = arith.constant 6 : i32
      %broadcast_in_dim3A_147 = vector.broadcast %broadcast_in_dim3A_146 : i32 to vector<16xi32>
      %gather3A_148 = tpu.vector_load_idx %arg10[%add3A_109, %broadcast_in_dim3A_147] : memref<128x16xf32, #tpu.memory_space<vmem>>[vector<16xi32>, vector<16xi32>], vector<16xf32>,
      %gather3A_149 = tpu.vector_load_idx %arg11[%add3A_109, %broadcast_in_dim3A_147] : memref<128x16xf32, #tpu.memory_space<vmem>>[vector<16xi32>, vector<16xi32>], vector<16xf32>,
      %mul3A_150 = arith.mulf %gather3A_148, %gather3A_149 : vector<16xf32>
      %add3A_151 = arith.addf %add3A_145, %mul3A_150 : vector<16xf32>
      %broadcast_in_dim3A_152 = arith.constant 7 : i32
      %broadcast_in_dim3A_153 = vector.broadcast %broadcast_in_dim3A_152 : i32 to vector<16xi32>
      %gather3A_154 = tpu.vector_load_idx %arg10[%add3A_109, %broadcast_in_dim3A_153] : memref<128x16xf32, #tpu.memory_space<vmem>>[vector<16xi32>, vector<16xi32>], vector<16xf32>,
      %gather3A_155 = tpu.vector_load_idx %arg11[%add3A_109, %broadcast_in_dim3A_153] : memref<128x16xf32, #tpu.memory_space<vmem>>[vector<16xi32>, vector<16xi32>], vector<16xf32>,
      %mul3A_156 = arith.mulf %gather3A_154, %gather3A_155 : vector<16xf32>
      %add3A_157 = arith.addf %add3A_151, %mul3A_156 : vector<16xf32>
      %broadcast_in_dim3A_158 = arith.constant 8 : i32
      %broadcast_in_dim3A_159 = vector.broadcast %broadcast_in_dim3A_158 : i32 to vector<16xi32>
      %gather3A_160 = tpu.vector_load_idx %arg10[%add3A_109, %broadcast_in_dim3A_159] : memref<128x16xf32, #tpu.memory_space<vmem>>[vector<16xi32>, vector<16xi32>], vector<16xf32>,
      %gather3A_161 = tpu.vector_load_idx %arg11[%add3A_109, %broadcast_in_dim3A_159] : memref<128x16xf32, #tpu.memory_space<vmem>>[vector<16xi32>, vector<16xi32>], vector<16xf32>,
      %mul3A_162 = arith.mulf %gather3A_160, %gather3A_161 : vector<16xf32>
      %add3A_163 = arith.addf %add3A_157, %mul3A_162 : vector<16xf32>
      %broadcast_in_dim3A_164 = arith.constant 9 : i32
      %broadcast_in_dim3A_165 = vector.broadcast %broadcast_in_dim3A_164 : i32 to vector<16xi32>
      %gather3A_166 = tpu.vector_load_idx %arg10[%add3A_109, %broadcast_in_dim3A_165] : memref<128x16xf32, #tpu.memory_space<vmem>>[vector<16xi32>, vector<16xi32>], vector<16xf32>,
      %gather3A_167 = tpu.vector_load_idx %arg11[%add3A_109, %broadcast_in_dim3A_165] : memref<128x16xf32, #tpu.memory_space<vmem>>[vector<16xi32>, vector<16xi32>], vector<16xf32>,
      %mul3A_168 = arith.mulf %gather3A_166, %gather3A_167 : vector<16xf32>
      %add3A_169 = arith.addf %add3A_163, %mul3A_168 : vector<16xf32>
      %broadcast_in_dim3A_170 = arith.constant 10 : i32
      %broadcast_in_dim3A_171 = vector.broadcast %broadcast_in_dim3A_170 : i32 to vector<16xi32>
      %gather3A_172 = tpu.vector_load_idx %arg10[%add3A_109, %broadcast_in_dim3A_171] : memref<128x16xf32, #tpu.memory_space<vmem>>[vector<16xi32>, vector<16xi32>], vector<16xf32>,
      %gather3A_173 = tpu.vector_load_idx %arg11[%add3A_109, %broadcast_in_dim3A_171] : memref<128x16xf32, #tpu.memory_space<vmem>>[vector<16xi32>, vector<16xi32>], vector<16xf32>,
      %mul3A_174 = arith.mulf %gather3A_172, %gather3A_173 : vector<16xf32>
      %add3A_175 = arith.addf %add3A_169, %mul3A_174 : vector<16xf32>
      %broadcast_in_dim3A_176 = arith.constant 11 : i32
      %broadcast_in_dim3A_177 = vector.broadcast %broadcast_in_dim3A_176 : i32 to vector<16xi32>
      %gather3A_178 = tpu.vector_load_idx %arg10[%add3A_109, %broadcast_in_dim3A_177] : memref<128x16xf32, #tpu.memory_space<vmem>>[vector<16xi32>, vector<16xi32>], vector<16xf32>,
      %gather3A_179 = tpu.vector_load_idx %arg11[%add3A_109, %broadcast_in_dim3A_177] : memref<128x16xf32, #tpu.memory_space<vmem>>[vector<16xi32>, vector<16xi32>], vector<16xf32>,
      %mul3A_180 = arith.mulf %gather3A_178, %gather3A_179 : vector<16xf32>
      %add3A_181 = arith.addf %add3A_175, %mul3A_180 : vector<16xf32>
      %broadcast_in_dim3A_182 = arith.constant 12 : i32
      %broadcast_in_dim3A_183 = vector.broadcast %broadcast_in_dim3A_182 : i32 to vector<16xi32>
      %gather3A_184 = tpu.vector_load_idx %arg10[%add3A_109, %broadcast_in_dim3A_183] : memref<128x16xf32, #tpu.memory_space<vmem>>[vector<16xi32>, vector<16xi32>], vector<16xf32>,
      %gather3A_185 = tpu.vector_load_idx %arg11[%add3A_109, %broadcast_in_dim3A_183] : memref<128x16xf32, #tpu.memory_space<vmem>>[vector<16xi32>, vector<16xi32>], vector<16xf32>,
      %mul3A_186 = arith.mulf %gather3A_184, %gather3A_185 : vector<16xf32>
      %add3A_187 = arith.addf %add3A_181, %mul3A_186 : vector<16xf32>
      %broadcast_in_dim3A_188 = arith.constant 13 : i32
      %broadcast_in_dim3A_189 = vector.broadcast %broadcast_in_dim3A_188 : i32 to vector<16xi32>
      %gather3A_190 = tpu.vector_load_idx %arg10[%add3A_109, %broadcast_in_dim3A_189] : memref<128x16xf32, #tpu.memory_space<vmem>>[vector<16xi32>, vector<16xi32>], vector<16xf32>,
      %gather3A_191 = tpu.vector_load_idx %arg11[%add3A_109, %broadcast_in_dim3A_189] : memref<128x16xf32, #tpu.memory_space<vmem>>[vector<16xi32>, vector<16xi32>], vector<16xf32>,
      %mul3A_192 = arith.mulf %gather3A_190, %gather3A_191 : vector<16xf32>
      %add3A_193 = arith.addf %add3A_187, %mul3A_192 : vector<16xf32>
      %broadcast_in_dim3A_194 = arith.constant 14 : i32
      %broadcast_in_dim3A_195 = vector.broadcast %broadcast_in_dim3A_194 : i32 to vector<16xi32>
      %gather3A_196 = tpu.vector_load_idx %arg10[%add3A_109, %broadcast_in_dim3A_195] : memref<128x16xf32, #tpu.memory_space<vmem>>[vector<16xi32>, vector<16xi32>], vector<16xf32>,
      %gather3A_197 = tpu.vector_load_idx %arg11[%add3A_109, %broadcast_in_dim3A_195] : memref<128x16xf32, #tpu.memory_space<vmem>>[vector<16xi32>, vector<16xi32>], vector<16xf32>,
      %mul3A_198 = arith.mulf %gather3A_196, %gather3A_197 : vector<16xf32>
      %add3A_199 = arith.addf %add3A_193, %mul3A_198 : vector<16xf32>
      %broadcast_in_dim3A_200 = arith.constant 15 : i32
      %broadcast_in_dim3A_201 = vector.broadcast %broadcast_in_dim3A_200 : i32 to vector<16xi32>
      %gather3A_202 = tpu.vector_load_idx %arg10[%add3A_109, %broadcast_in_dim3A_201] : memref<128x16xf32, #tpu.memory_space<vmem>>[vector<16xi32>, vector<16xi32>], vector<16xf32>,
      %gather3A_203 = tpu.vector_load_idx %arg11[%add3A_109, %broadcast_in_dim3A_201] : memref<128x16xf32, #tpu.memory_space<vmem>>[vector<16xi32>, vector<16xi32>], vector<16xf32>,
      %mul3A_204 = arith.mulf %gather3A_202, %gather3A_203 : vector<16xf32>
      %add3A_205 = arith.addf %add3A_199, %mul3A_204 : vector<16xf32>
      %mul3A_206 = arith.constant 16 : i32
      %mul3A_207 = arith.muli %scan3A_105, %mul3A_206 : i32
      %add3A_208 = arith.constant 0 : i32
      %add3A_209 = arith.addi %add3A_208, %mul3A_207 : i32
      %get3A_210 = arith.index_cast %add3A_209 : i32 to index
      %get3A_211 = tpu.vector_load %arg16[%get3A_210] {strides = array<i32>} : memref<512xf32, #tpu.memory_space<vmem>>, vector<16xf32>,
      %get3A_212 = arith.index_cast %add3A_209 : i32 to index
      %get3A_213 = tpu.vector_load %arg17[%get3A_212] {strides = array<i32>} : memref<512xf32, #tpu.memory_space<vmem>>, vector<16xf32>,
      %add3A_214 = arith.addf %add3A_205, %get3A_211 : vector<16xf32>
      %add3A_215 = arith.addf %add3A_214, %get3A_213 : vector<16xf32>
      %add3A_216 = arith.addf %add3A_215, %get3A_19 : vector<16xf32>
      %swap3A = arith.index_cast %add3A_209 : i32 to index
      %swap3A_217 = tpu.vector_load %arg19[%swap3A] {strides = array<i32>} : memref<512xf32, #tpu.memory_space<vmem>>, vector<16xf32>,
      tpu.vector_store %arg19[%swap3A], %add3A_216 {strides = array<i32>} : memref<512xf32, #tpu.memory_space<vmem>>, vector<16xf32>,
    }
    %scan3A_42 = arith.constant 8 : i32
    %add3A_43 = arith.constant 256 : i32
    %add3A_44 = arith.addi %mul3A_2, %add3A_43 : i32
    %dma_start3A_45 = arith.constant 0 : i32
    %dma_start3A_46 = tpu.memref_slice %arg2[%add3A_44, %dma_start3A_45] : memref<16384x16xf32, #tpu.memory_space<hbm>> -> memref<128x16xf32, #tpu.memory_space<hbm>>
    %dma_start3A_47 = arith.constant 0 : i32
    %dma_start3A_48 = tpu.memref_slice %arg2[%add3A_44, %dma_start3A_47] : memref<16384x16xf32, #tpu.memory_space<hbm>> -> memref<128x16xf32, #tpu.memory_space<hbm>>
    tpu.enqueue_dma source(%dma_start3A_48 : memref<128x16xf32, #tpu.memory_space<hbm>>) target(%arg10 : memref<128x16xf32, #tpu.memory_space<vmem>>) target_semaphore(%arg21 : memref<!tpu.dma_semaphore, #tpu.memory_space<semaphore_mem>>)
    %dma_start3A_49 = arith.constant 0 : i32
    %dma_start3A_50 = tpu.memref_slice %arg3[%add3A_44, %dma_start3A_49] : memref<16384x16xf32, #tpu.memory_space<hbm>> -> memref<128x16xf32, #tpu.memory_space<hbm>>
    %dma_start3A_51 = arith.constant 0 : i32
    %dma_start3A_52 = tpu.memref_slice %arg3[%add3A_44, %dma_start3A_51] : memref<16384x16xf32, #tpu.memory_space<hbm>> -> memref<128x16xf32, #tpu.memory_space<hbm>>
    tpu.enqueue_dma source(%dma_start3A_52 : memref<128x16xf32, #tpu.memory_space<hbm>>) target(%arg11 : memref<128x16xf32, #tpu.memory_space<vmem>>) target_semaphore(%arg21 : memref<!tpu.dma_semaphore, #tpu.memory_space<semaphore_mem>>)
    %dma_wait3A_53 = arith.constant 0 : i32
    %dma_wait3A_54 = tpu.memref_slice %arg2[%add3A_21, %dma_wait3A_53] : memref<16384x16xf32, #tpu.memory_space<hbm>> -> memref<128x16xf32, #tpu.memory_space<hbm>>
    %dma_wait3A_55 = arith.constant 0 : i32
    %dma_wait3A_56 = tpu.memref_slice %arg2[%add3A_21, %dma_wait3A_55] : memref<16384x16xf32, #tpu.memory_space<hbm>> -> memref<128x16xf32, #tpu.memory_space<hbm>>
    tpu.wait_dma2 semaphore(%arg22 : memref<!tpu.dma_semaphore, #tpu.memory_space<semaphore_mem>>) src(%dma_wait3A_56 : memref<128x16xf32, #tpu.memory_space<hbm>>) dst(%arg12 : memref<128x16xf32, #tpu.memory_space<vmem>>)
    %dma_wait3A_57 = arith.constant 0 : i32
    %dma_wait3A_58 = tpu.memref_slice %arg3[%add3A_21, %dma_wait3A_57] : memref<16384x16xf32, #tpu.memory_space<hbm>> -> memref<128x16xf32, #tpu.memory_space<hbm>>
    %dma_wait3A_59 = arith.constant 0 : i32
    %dma_wait3A_60 = tpu.memref_slice %arg3[%add3A_21, %dma_wait3A_59] : memref<16384x16xf32, #tpu.memory_space<hbm>> -> memref<128x16xf32, #tpu.memory_space<hbm>>
    tpu.wait_dma2 semaphore(%arg22 : memref<!tpu.dma_semaphore, #tpu.memory_space<semaphore_mem>>) src(%dma_wait3A_60 : memref<128x16xf32, #tpu.memory_space<hbm>>) dst(%arg13 : memref<128x16xf32, #tpu.memory_space<vmem>>)
    %scan3A_61 = arith.constant 0 : i32
    %scan3A_62 = arith.constant 0 : i32
    %scan3A_63 = arith.constant 8 : i32
    %scan3A_64 = arith.addi %scan3A_62, %scan3A_63 : i32
    %scan3A_65 = arith.constant 1 : i32
    scf.for %scan3A_105 = %scan3A_62 to %scan3A_64 step %scan3A_65  : i32 {
      %mul3A_106 = arith.constant 16 : i32
      %mul3A_107 = arith.muli %scan3A_105, %mul3A_106 : i32
      %add3A_108 = vector.broadcast %mul3A_107 : i32 to vector<16xi32>
      %add3A_109 = arith.addi %add3A_108, %iota3A : vector<16xi32>
      %broadcast_in_dim3A = arith.constant 0.000000e+00 : f32
      %broadcast_in_dim3A_110 = vector.broadcast %broadcast_in_dim3A : f32 to vector<16xf32>
      %broadcast_in_dim3A_111 = arith.constant 0 : i32
      %broadcast_in_dim3A_112 = vector.broadcast %broadcast_in_dim3A_111 : i32 to vector<16xi32>
      %gather3A = tpu.vector_load_idx %arg12[%add3A_109, %broadcast_in_dim3A_112] : memref<128x16xf32, #tpu.memory_space<vmem>>[vector<16xi32>, vector<16xi32>], vector<16xf32>,
      %gather3A_113 = tpu.vector_load_idx %arg13[%add3A_109, %broadcast_in_dim3A_112] : memref<128x16xf32, #tpu.memory_space<vmem>>[vector<16xi32>, vector<16xi32>], vector<16xf32>,
      %mul3A_114 = arith.mulf %gather3A, %gather3A_113 : vector<16xf32>
      %add3A_115 = arith.addf %broadcast_in_dim3A_110, %mul3A_114 : vector<16xf32>
      %broadcast_in_dim3A_116 = arith.constant 1 : i32
      %broadcast_in_dim3A_117 = vector.broadcast %broadcast_in_dim3A_116 : i32 to vector<16xi32>
      %gather3A_118 = tpu.vector_load_idx %arg12[%add3A_109, %broadcast_in_dim3A_117] : memref<128x16xf32, #tpu.memory_space<vmem>>[vector<16xi32>, vector<16xi32>], vector<16xf32>,
      %gather3A_119 = tpu.vector_load_idx %arg13[%add3A_109, %broadcast_in_dim3A_117] : memref<128x16xf32, #tpu.memory_space<vmem>>[vector<16xi32>, vector<16xi32>], vector<16xf32>,
      %mul3A_120 = arith.mulf %gather3A_118, %gather3A_119 : vector<16xf32>
      %add3A_121 = arith.addf %add3A_115, %mul3A_120 : vector<16xf32>
      %broadcast_in_dim3A_122 = arith.constant 2 : i32
      %broadcast_in_dim3A_123 = vector.broadcast %broadcast_in_dim3A_122 : i32 to vector<16xi32>
      %gather3A_124 = tpu.vector_load_idx %arg12[%add3A_109, %broadcast_in_dim3A_123] : memref<128x16xf32, #tpu.memory_space<vmem>>[vector<16xi32>, vector<16xi32>], vector<16xf32>,
      %gather3A_125 = tpu.vector_load_idx %arg13[%add3A_109, %broadcast_in_dim3A_123] : memref<128x16xf32, #tpu.memory_space<vmem>>[vector<16xi32>, vector<16xi32>], vector<16xf32>,
      %mul3A_126 = arith.mulf %gather3A_124, %gather3A_125 : vector<16xf32>
      %add3A_127 = arith.addf %add3A_121, %mul3A_126 : vector<16xf32>
      %broadcast_in_dim3A_128 = arith.constant 3 : i32
      %broadcast_in_dim3A_129 = vector.broadcast %broadcast_in_dim3A_128 : i32 to vector<16xi32>
      %gather3A_130 = tpu.vector_load_idx %arg12[%add3A_109, %broadcast_in_dim3A_129] : memref<128x16xf32, #tpu.memory_space<vmem>>[vector<16xi32>, vector<16xi32>], vector<16xf32>,
      %gather3A_131 = tpu.vector_load_idx %arg13[%add3A_109, %broadcast_in_dim3A_129] : memref<128x16xf32, #tpu.memory_space<vmem>>[vector<16xi32>, vector<16xi32>], vector<16xf32>,
      %mul3A_132 = arith.mulf %gather3A_130, %gather3A_131 : vector<16xf32>
      %add3A_133 = arith.addf %add3A_127, %mul3A_132 : vector<16xf32>
      %broadcast_in_dim3A_134 = arith.constant 4 : i32
      %broadcast_in_dim3A_135 = vector.broadcast %broadcast_in_dim3A_134 : i32 to vector<16xi32>
      %gather3A_136 = tpu.vector_load_idx %arg12[%add3A_109, %broadcast_in_dim3A_135] : memref<128x16xf32, #tpu.memory_space<vmem>>[vector<16xi32>, vector<16xi32>], vector<16xf32>,
      %gather3A_137 = tpu.vector_load_idx %arg13[%add3A_109, %broadcast_in_dim3A_135] : memref<128x16xf32, #tpu.memory_space<vmem>>[vector<16xi32>, vector<16xi32>], vector<16xf32>,
      %mul3A_138 = arith.mulf %gather3A_136, %gather3A_137 : vector<16xf32>
      %add3A_139 = arith.addf %add3A_133, %mul3A_138 : vector<16xf32>
      %broadcast_in_dim3A_140 = arith.constant 5 : i32
      %broadcast_in_dim3A_141 = vector.broadcast %broadcast_in_dim3A_140 : i32 to vector<16xi32>
      %gather3A_142 = tpu.vector_load_idx %arg12[%add3A_109, %broadcast_in_dim3A_141] : memref<128x16xf32, #tpu.memory_space<vmem>>[vector<16xi32>, vector<16xi32>], vector<16xf32>,
      %gather3A_143 = tpu.vector_load_idx %arg13[%add3A_109, %broadcast_in_dim3A_141] : memref<128x16xf32, #tpu.memory_space<vmem>>[vector<16xi32>, vector<16xi32>], vector<16xf32>,
      %mul3A_144 = arith.mulf %gather3A_142, %gather3A_143 : vector<16xf32>
      %add3A_145 = arith.addf %add3A_139, %mul3A_144 : vector<16xf32>
      %broadcast_in_dim3A_146 = arith.constant 6 : i32
      %broadcast_in_dim3A_147 = vector.broadcast %broadcast_in_dim3A_146 : i32 to vector<16xi32>
      %gather3A_148 = tpu.vector_load_idx %arg12[%add3A_109, %broadcast_in_dim3A_147] : memref<128x16xf32, #tpu.memory_space<vmem>>[vector<16xi32>, vector<16xi32>], vector<16xf32>,
      %gather3A_149 = tpu.vector_load_idx %arg13[%add3A_109, %broadcast_in_dim3A_147] : memref<128x16xf32, #tpu.memory_space<vmem>>[vector<16xi32>, vector<16xi32>], vector<16xf32>,
      %mul3A_150 = arith.mulf %gather3A_148, %gather3A_149 : vector<16xf32>
      %add3A_151 = arith.addf %add3A_145, %mul3A_150 : vector<16xf32>
      %broadcast_in_dim3A_152 = arith.constant 7 : i32
      %broadcast_in_dim3A_153 = vector.broadcast %broadcast_in_dim3A_152 : i32 to vector<16xi32>
      %gather3A_154 = tpu.vector_load_idx %arg12[%add3A_109, %broadcast_in_dim3A_153] : memref<128x16xf32, #tpu.memory_space<vmem>>[vector<16xi32>, vector<16xi32>], vector<16xf32>,
      %gather3A_155 = tpu.vector_load_idx %arg13[%add3A_109, %broadcast_in_dim3A_153] : memref<128x16xf32, #tpu.memory_space<vmem>>[vector<16xi32>, vector<16xi32>], vector<16xf32>,
      %mul3A_156 = arith.mulf %gather3A_154, %gather3A_155 : vector<16xf32>
      %add3A_157 = arith.addf %add3A_151, %mul3A_156 : vector<16xf32>
      %broadcast_in_dim3A_158 = arith.constant 8 : i32
      %broadcast_in_dim3A_159 = vector.broadcast %broadcast_in_dim3A_158 : i32 to vector<16xi32>
      %gather3A_160 = tpu.vector_load_idx %arg12[%add3A_109, %broadcast_in_dim3A_159] : memref<128x16xf32, #tpu.memory_space<vmem>>[vector<16xi32>, vector<16xi32>], vector<16xf32>,
      %gather3A_161 = tpu.vector_load_idx %arg13[%add3A_109, %broadcast_in_dim3A_159] : memref<128x16xf32, #tpu.memory_space<vmem>>[vector<16xi32>, vector<16xi32>], vector<16xf32>,
      %mul3A_162 = arith.mulf %gather3A_160, %gather3A_161 : vector<16xf32>
      %add3A_163 = arith.addf %add3A_157, %mul3A_162 : vector<16xf32>
      %broadcast_in_dim3A_164 = arith.constant 9 : i32
      %broadcast_in_dim3A_165 = vector.broadcast %broadcast_in_dim3A_164 : i32 to vector<16xi32>
      %gather3A_166 = tpu.vector_load_idx %arg12[%add3A_109, %broadcast_in_dim3A_165] : memref<128x16xf32, #tpu.memory_space<vmem>>[vector<16xi32>, vector<16xi32>], vector<16xf32>,
      %gather3A_167 = tpu.vector_load_idx %arg13[%add3A_109, %broadcast_in_dim3A_165] : memref<128x16xf32, #tpu.memory_space<vmem>>[vector<16xi32>, vector<16xi32>], vector<16xf32>,
      %mul3A_168 = arith.mulf %gather3A_166, %gather3A_167 : vector<16xf32>
      %add3A_169 = arith.addf %add3A_163, %mul3A_168 : vector<16xf32>
      %broadcast_in_dim3A_170 = arith.constant 10 : i32
      %broadcast_in_dim3A_171 = vector.broadcast %broadcast_in_dim3A_170 : i32 to vector<16xi32>
      %gather3A_172 = tpu.vector_load_idx %arg12[%add3A_109, %broadcast_in_dim3A_171] : memref<128x16xf32, #tpu.memory_space<vmem>>[vector<16xi32>, vector<16xi32>], vector<16xf32>,
      %gather3A_173 = tpu.vector_load_idx %arg13[%add3A_109, %broadcast_in_dim3A_171] : memref<128x16xf32, #tpu.memory_space<vmem>>[vector<16xi32>, vector<16xi32>], vector<16xf32>,
      %mul3A_174 = arith.mulf %gather3A_172, %gather3A_173 : vector<16xf32>
      %add3A_175 = arith.addf %add3A_169, %mul3A_174 : vector<16xf32>
      %broadcast_in_dim3A_176 = arith.constant 11 : i32
      %broadcast_in_dim3A_177 = vector.broadcast %broadcast_in_dim3A_176 : i32 to vector<16xi32>
      %gather3A_178 = tpu.vector_load_idx %arg12[%add3A_109, %broadcast_in_dim3A_177] : memref<128x16xf32, #tpu.memory_space<vmem>>[vector<16xi32>, vector<16xi32>], vector<16xf32>,
      %gather3A_179 = tpu.vector_load_idx %arg13[%add3A_109, %broadcast_in_dim3A_177] : memref<128x16xf32, #tpu.memory_space<vmem>>[vector<16xi32>, vector<16xi32>], vector<16xf32>,
      %mul3A_180 = arith.mulf %gather3A_178, %gather3A_179 : vector<16xf32>
      %add3A_181 = arith.addf %add3A_175, %mul3A_180 : vector<16xf32>
      %broadcast_in_dim3A_182 = arith.constant 12 : i32
      %broadcast_in_dim3A_183 = vector.broadcast %broadcast_in_dim3A_182 : i32 to vector<16xi32>
      %gather3A_184 = tpu.vector_load_idx %arg12[%add3A_109, %broadcast_in_dim3A_183] : memref<128x16xf32, #tpu.memory_space<vmem>>[vector<16xi32>, vector<16xi32>], vector<16xf32>,
      %gather3A_185 = tpu.vector_load_idx %arg13[%add3A_109, %broadcast_in_dim3A_183] : memref<128x16xf32, #tpu.memory_space<vmem>>[vector<16xi32>, vector<16xi32>], vector<16xf32>,
      %mul3A_186 = arith.mulf %gather3A_184, %gather3A_185 : vector<16xf32>
      %add3A_187 = arith.addf %add3A_181, %mul3A_186 : vector<16xf32>
      %broadcast_in_dim3A_188 = arith.constant 13 : i32
      %broadcast_in_dim3A_189 = vector.broadcast %broadcast_in_dim3A_188 : i32 to vector<16xi32>
      %gather3A_190 = tpu.vector_load_idx %arg12[%add3A_109, %broadcast_in_dim3A_189] : memref<128x16xf32, #tpu.memory_space<vmem>>[vector<16xi32>, vector<16xi32>], vector<16xf32>,
      %gather3A_191 = tpu.vector_load_idx %arg13[%add3A_109, %broadcast_in_dim3A_189] : memref<128x16xf32, #tpu.memory_space<vmem>>[vector<16xi32>, vector<16xi32>], vector<16xf32>,
      %mul3A_192 = arith.mulf %gather3A_190, %gather3A_191 : vector<16xf32>
      %add3A_193 = arith.addf %add3A_187, %mul3A_192 : vector<16xf32>
      %broadcast_in_dim3A_194 = arith.constant 14 : i32
      %broadcast_in_dim3A_195 = vector.broadcast %broadcast_in_dim3A_194 : i32 to vector<16xi32>
      %gather3A_196 = tpu.vector_load_idx %arg12[%add3A_109, %broadcast_in_dim3A_195] : memref<128x16xf32, #tpu.memory_space<vmem>>[vector<16xi32>, vector<16xi32>], vector<16xf32>,
      %gather3A_197 = tpu.vector_load_idx %arg13[%add3A_109, %broadcast_in_dim3A_195] : memref<128x16xf32, #tpu.memory_space<vmem>>[vector<16xi32>, vector<16xi32>], vector<16xf32>,
      %mul3A_198 = arith.mulf %gather3A_196, %gather3A_197 : vector<16xf32>
      %add3A_199 = arith.addf %add3A_193, %mul3A_198 : vector<16xf32>
      %broadcast_in_dim3A_200 = arith.constant 15 : i32
      %broadcast_in_dim3A_201 = vector.broadcast %broadcast_in_dim3A_200 : i32 to vector<16xi32>
      %gather3A_202 = tpu.vector_load_idx %arg12[%add3A_109, %broadcast_in_dim3A_201] : memref<128x16xf32, #tpu.memory_space<vmem>>[vector<16xi32>, vector<16xi32>], vector<16xf32>,
      %gather3A_203 = tpu.vector_load_idx %arg13[%add3A_109, %broadcast_in_dim3A_201] : memref<128x16xf32, #tpu.memory_space<vmem>>[vector<16xi32>, vector<16xi32>], vector<16xf32>,
      %mul3A_204 = arith.mulf %gather3A_202, %gather3A_203 : vector<16xf32>
      %add3A_205 = arith.addf %add3A_199, %mul3A_204 : vector<16xf32>
      %mul3A_206 = arith.constant 16 : i32
      %mul3A_207 = arith.muli %scan3A_105, %mul3A_206 : i32
      %add3A_208 = arith.constant 128 : i32
      %add3A_209 = arith.addi %add3A_208, %mul3A_207 : i32
      %get3A_210 = arith.index_cast %add3A_209 : i32 to index
      %get3A_211 = tpu.vector_load %arg16[%get3A_210] {strides = array<i32>} : memref<512xf32, #tpu.memory_space<vmem>>, vector<16xf32>,
      %get3A_212 = arith.index_cast %add3A_209 : i32 to index
      %get3A_213 = tpu.vector_load %arg17[%get3A_212] {strides = array<i32>} : memref<512xf32, #tpu.memory_space<vmem>>, vector<16xf32>,
      %add3A_214 = arith.addf %add3A_205, %get3A_211 : vector<16xf32>
      %add3A_215 = arith.addf %add3A_214, %get3A_213 : vector<16xf32>
      %add3A_216 = arith.addf %add3A_215, %get3A_19 : vector<16xf32>
      %swap3A = arith.index_cast %add3A_209 : i32 to index
      %swap3A_217 = tpu.vector_load %arg19[%swap3A] {strides = array<i32>} : memref<512xf32, #tpu.memory_space<vmem>>, vector<16xf32>,
      tpu.vector_store %arg19[%swap3A], %add3A_216 {strides = array<i32>} : memref<512xf32, #tpu.memory_space<vmem>>, vector<16xf32>,
    }
    %scan3A_66 = arith.constant 8 : i32
    %add3A_67 = arith.constant 384 : i32
    %add3A_68 = arith.addi %mul3A_2, %add3A_67 : i32
    %dma_start3A_69 = arith.constant 0 : i32
    %dma_start3A_70 = tpu.memref_slice %arg2[%add3A_68, %dma_start3A_69] : memref<16384x16xf32, #tpu.memory_space<hbm>> -> memref<128x16xf32, #tpu.memory_space<hbm>>
    %dma_start3A_71 = arith.constant 0 : i32
    %dma_start3A_72 = tpu.memref_slice %arg2[%add3A_68, %dma_start3A_71] : memref<16384x16xf32, #tpu.memory_space<hbm>> -> memref<128x16xf32, #tpu.memory_space<hbm>>
    tpu.enqueue_dma source(%dma_start3A_72 : memref<128x16xf32, #tpu.memory_space<hbm>>) target(%arg12 : memref<128x16xf32, #tpu.memory_space<vmem>>) target_semaphore(%arg22 : memref<!tpu.dma_semaphore, #tpu.memory_space<semaphore_mem>>)
    %dma_start3A_73 = arith.constant 0 : i32
    %dma_start3A_74 = tpu.memref_slice %arg3[%add3A_68, %dma_start3A_73] : memref<16384x16xf32, #tpu.memory_space<hbm>> -> memref<128x16xf32, #tpu.memory_space<hbm>>
    %dma_start3A_75 = arith.constant 0 : i32
    %dma_start3A_76 = tpu.memref_slice %arg3[%add3A_68, %dma_start3A_75] : memref<16384x16xf32, #tpu.memory_space<hbm>> -> memref<128x16xf32, #tpu.memory_space<hbm>>
    tpu.enqueue_dma source(%dma_start3A_76 : memref<128x16xf32, #tpu.memory_space<hbm>>) target(%arg13 : memref<128x16xf32, #tpu.memory_space<vmem>>) target_semaphore(%arg22 : memref<!tpu.dma_semaphore, #tpu.memory_space<semaphore_mem>>)
    %dma_wait3A_77 = arith.constant 0 : i32
    %dma_wait3A_78 = tpu.memref_slice %arg2[%add3A_44, %dma_wait3A_77] : memref<16384x16xf32, #tpu.memory_space<hbm>> -> memref<128x16xf32, #tpu.memory_space<hbm>>
    %dma_wait3A_79 = arith.constant 0 : i32
    %dma_wait3A_80 = tpu.memref_slice %arg2[%add3A_44, %dma_wait3A_79] : memref<16384x16xf32, #tpu.memory_space<hbm>> -> memref<128x16xf32, #tpu.memory_space<hbm>>
    tpu.wait_dma2 semaphore(%arg21 : memref<!tpu.dma_semaphore, #tpu.memory_space<semaphore_mem>>) src(%dma_wait3A_80 : memref<128x16xf32, #tpu.memory_space<hbm>>) dst(%arg10 : memref<128x16xf32, #tpu.memory_space<vmem>>)
    %dma_wait3A_81 = arith.constant 0 : i32
    %dma_wait3A_82 = tpu.memref_slice %arg3[%add3A_44, %dma_wait3A_81] : memref<16384x16xf32, #tpu.memory_space<hbm>> -> memref<128x16xf32, #tpu.memory_space<hbm>>
    %dma_wait3A_83 = arith.constant 0 : i32
    %dma_wait3A_84 = tpu.memref_slice %arg3[%add3A_44, %dma_wait3A_83] : memref<16384x16xf32, #tpu.memory_space<hbm>> -> memref<128x16xf32, #tpu.memory_space<hbm>>
    tpu.wait_dma2 semaphore(%arg21 : memref<!tpu.dma_semaphore, #tpu.memory_space<semaphore_mem>>) src(%dma_wait3A_84 : memref<128x16xf32, #tpu.memory_space<hbm>>) dst(%arg11 : memref<128x16xf32, #tpu.memory_space<vmem>>)
    %scan3A_85 = arith.constant 0 : i32
    %scan3A_86 = arith.constant 0 : i32
    %scan3A_87 = arith.constant 8 : i32
    %scan3A_88 = arith.addi %scan3A_86, %scan3A_87 : i32
    %scan3A_89 = arith.constant 1 : i32
    scf.for %scan3A_105 = %scan3A_86 to %scan3A_88 step %scan3A_89  : i32 {
      %mul3A_106 = arith.constant 16 : i32
      %mul3A_107 = arith.muli %scan3A_105, %mul3A_106 : i32
      %add3A_108 = vector.broadcast %mul3A_107 : i32 to vector<16xi32>
      %add3A_109 = arith.addi %add3A_108, %iota3A : vector<16xi32>
      %broadcast_in_dim3A = arith.constant 0.000000e+00 : f32
      %broadcast_in_dim3A_110 = vector.broadcast %broadcast_in_dim3A : f32 to vector<16xf32>
      %broadcast_in_dim3A_111 = arith.constant 0 : i32
      %broadcast_in_dim3A_112 = vector.broadcast %broadcast_in_dim3A_111 : i32 to vector<16xi32>
      %gather3A = tpu.vector_load_idx %arg10[%add3A_109, %broadcast_in_dim3A_112] : memref<128x16xf32, #tpu.memory_space<vmem>>[vector<16xi32>, vector<16xi32>], vector<16xf32>,
      %gather3A_113 = tpu.vector_load_idx %arg11[%add3A_109, %broadcast_in_dim3A_112] : memref<128x16xf32, #tpu.memory_space<vmem>>[vector<16xi32>, vector<16xi32>], vector<16xf32>,
      %mul3A_114 = arith.mulf %gather3A, %gather3A_113 : vector<16xf32>
      %add3A_115 = arith.addf %broadcast_in_dim3A_110, %mul3A_114 : vector<16xf32>
      %broadcast_in_dim3A_116 = arith.constant 1 : i32
      %broadcast_in_dim3A_117 = vector.broadcast %broadcast_in_dim3A_116 : i32 to vector<16xi32>
      %gather3A_118 = tpu.vector_load_idx %arg10[%add3A_109, %broadcast_in_dim3A_117] : memref<128x16xf32, #tpu.memory_space<vmem>>[vector<16xi32>, vector<16xi32>], vector<16xf32>,
      %gather3A_119 = tpu.vector_load_idx %arg11[%add3A_109, %broadcast_in_dim3A_117] : memref<128x16xf32, #tpu.memory_space<vmem>>[vector<16xi32>, vector<16xi32>], vector<16xf32>,
      %mul3A_120 = arith.mulf %gather3A_118, %gather3A_119 : vector<16xf32>
      %add3A_121 = arith.addf %add3A_115, %mul3A_120 : vector<16xf32>
      %broadcast_in_dim3A_122 = arith.constant 2 : i32
      %broadcast_in_dim3A_123 = vector.broadcast %broadcast_in_dim3A_122 : i32 to vector<16xi32>
      %gather3A_124 = tpu.vector_load_idx %arg10[%add3A_109, %broadcast_in_dim3A_123] : memref<128x16xf32, #tpu.memory_space<vmem>>[vector<16xi32>, vector<16xi32>], vector<16xf32>,
      %gather3A_125 = tpu.vector_load_idx %arg11[%add3A_109, %broadcast_in_dim3A_123] : memref<128x16xf32, #tpu.memory_space<vmem>>[vector<16xi32>, vector<16xi32>], vector<16xf32>,
      %mul3A_126 = arith.mulf %gather3A_124, %gather3A_125 : vector<16xf32>
      %add3A_127 = arith.addf %add3A_121, %mul3A_126 : vector<16xf32>
      %broadcast_in_dim3A_128 = arith.constant 3 : i32
      %broadcast_in_dim3A_129 = vector.broadcast %broadcast_in_dim3A_128 : i32 to vector<16xi32>
      %gather3A_130 = tpu.vector_load_idx %arg10[%add3A_109, %broadcast_in_dim3A_129] : memref<128x16xf32, #tpu.memory_space<vmem>>[vector<16xi32>, vector<16xi32>], vector<16xf32>,
      %gather3A_131 = tpu.vector_load_idx %arg11[%add3A_109, %broadcast_in_dim3A_129] : memref<128x16xf32, #tpu.memory_space<vmem>>[vector<16xi32>, vector<16xi32>], vector<16xf32>,
      %mul3A_132 = arith.mulf %gather3A_130, %gather3A_131 : vector<16xf32>
      %add3A_133 = arith.addf %add3A_127, %mul3A_132 : vector<16xf32>
      %broadcast_in_dim3A_134 = arith.constant 4 : i32
      %broadcast_in_dim3A_135 = vector.broadcast %broadcast_in_dim3A_134 : i32 to vector<16xi32>
      %gather3A_136 = tpu.vector_load_idx %arg10[%add3A_109, %broadcast_in_dim3A_135] : memref<128x16xf32, #tpu.memory_space<vmem>>[vector<16xi32>, vector<16xi32>], vector<16xf32>,
      %gather3A_137 = tpu.vector_load_idx %arg11[%add3A_109, %broadcast_in_dim3A_135] : memref<128x16xf32, #tpu.memory_space<vmem>>[vector<16xi32>, vector<16xi32>], vector<16xf32>,
      %mul3A_138 = arith.mulf %gather3A_136, %gather3A_137 : vector<16xf32>
      %add3A_139 = arith.addf %add3A_133, %mul3A_138 : vector<16xf32>
      %broadcast_in_dim3A_140 = arith.constant 5 : i32
      %broadcast_in_dim3A_141 = vector.broadcast %broadcast_in_dim3A_140 : i32 to vector<16xi32>
      %gather3A_142 = tpu.vector_load_idx %arg10[%add3A_109, %broadcast_in_dim3A_141] : memref<128x16xf32, #tpu.memory_space<vmem>>[vector<16xi32>, vector<16xi32>], vector<16xf32>,
      %gather3A_143 = tpu.vector_load_idx %arg11[%add3A_109, %broadcast_in_dim3A_141] : memref<128x16xf32, #tpu.memory_space<vmem>>[vector<16xi32>, vector<16xi32>], vector<16xf32>,
      %mul3A_144 = arith.mulf %gather3A_142, %gather3A_143 : vector<16xf32>
      %add3A_145 = arith.addf %add3A_139, %mul3A_144 : vector<16xf32>
      %broadcast_in_dim3A_146 = arith.constant 6 : i32
      %broadcast_in_dim3A_147 = vector.broadcast %broadcast_in_dim3A_146 : i32 to vector<16xi32>
      %gather3A_148 = tpu.vector_load_idx %arg10[%add3A_109, %broadcast_in_dim3A_147] : memref<128x16xf32, #tpu.memory_space<vmem>>[vector<16xi32>, vector<16xi32>], vector<16xf32>,
      %gather3A_149 = tpu.vector_load_idx %arg11[%add3A_109, %broadcast_in_dim3A_147] : memref<128x16xf32, #tpu.memory_space<vmem>>[vector<16xi32>, vector<16xi32>], vector<16xf32>,
      %mul3A_150 = arith.mulf %gather3A_148, %gather3A_149 : vector<16xf32>
      %add3A_151 = arith.addf %add3A_145, %mul3A_150 : vector<16xf32>
      %broadcast_in_dim3A_152 = arith.constant 7 : i32
      %broadcast_in_dim3A_153 = vector.broadcast %broadcast_in_dim3A_152 : i32 to vector<16xi32>
      %gather3A_154 = tpu.vector_load_idx %arg10[%add3A_109, %broadcast_in_dim3A_153] : memref<128x16xf32, #tpu.memory_space<vmem>>[vector<16xi32>, vector<16xi32>], vector<16xf32>,
      %gather3A_155 = tpu.vector_load_idx %arg11[%add3A_109, %broadcast_in_dim3A_153] : memref<128x16xf32, #tpu.memory_space<vmem>>[vector<16xi32>, vector<16xi32>], vector<16xf32>,
      %mul3A_156 = arith.mulf %gather3A_154, %gather3A_155 : vector<16xf32>
      %add3A_157 = arith.addf %add3A_151, %mul3A_156 : vector<16xf32>
      %broadcast_in_dim3A_158 = arith.constant 8 : i32
      %broadcast_in_dim3A_159 = vector.broadcast %broadcast_in_dim3A_158 : i32 to vector<16xi32>
      %gather3A_160 = tpu.vector_load_idx %arg10[%add3A_109, %broadcast_in_dim3A_159] : memref<128x16xf32, #tpu.memory_space<vmem>>[vector<16xi32>, vector<16xi32>], vector<16xf32>,
      %gather3A_161 = tpu.vector_load_idx %arg11[%add3A_109, %broadcast_in_dim3A_159] : memref<128x16xf32, #tpu.memory_space<vmem>>[vector<16xi32>, vector<16xi32>], vector<16xf32>,
      %mul3A_162 = arith.mulf %gather3A_160, %gather3A_161 : vector<16xf32>
      %add3A_163 = arith.addf %add3A_157, %mul3A_162 : vector<16xf32>
      %broadcast_in_dim3A_164 = arith.constant 9 : i32
      %broadcast_in_dim3A_165 = vector.broadcast %broadcast_in_dim3A_164 : i32 to vector<16xi32>
      %gather3A_166 = tpu.vector_load_idx %arg10[%add3A_109, %broadcast_in_dim3A_165] : memref<128x16xf32, #tpu.memory_space<vmem>>[vector<16xi32>, vector<16xi32>], vector<16xf32>,
      %gather3A_167 = tpu.vector_load_idx %arg11[%add3A_109, %broadcast_in_dim3A_165] : memref<128x16xf32, #tpu.memory_space<vmem>>[vector<16xi32>, vector<16xi32>], vector<16xf32>,
      %mul3A_168 = arith.mulf %gather3A_166, %gather3A_167 : vector<16xf32>
      %add3A_169 = arith.addf %add3A_163, %mul3A_168 : vector<16xf32>
      %broadcast_in_dim3A_170 = arith.constant 10 : i32
      %broadcast_in_dim3A_171 = vector.broadcast %broadcast_in_dim3A_170 : i32 to vector<16xi32>
      %gather3A_172 = tpu.vector_load_idx %arg10[%add3A_109, %broadcast_in_dim3A_171] : memref<128x16xf32, #tpu.memory_space<vmem>>[vector<16xi32>, vector<16xi32>], vector<16xf32>,
      %gather3A_173 = tpu.vector_load_idx %arg11[%add3A_109, %broadcast_in_dim3A_171] : memref<128x16xf32, #tpu.memory_space<vmem>>[vector<16xi32>, vector<16xi32>], vector<16xf32>,
      %mul3A_174 = arith.mulf %gather3A_172, %gather3A_173 : vector<16xf32>
      %add3A_175 = arith.addf %add3A_169, %mul3A_174 : vector<16xf32>
      %broadcast_in_dim3A_176 = arith.constant 11 : i32
      %broadcast_in_dim3A_177 = vector.broadcast %broadcast_in_dim3A_176 : i32 to vector<16xi32>
      %gather3A_178 = tpu.vector_load_idx %arg10[%add3A_109, %broadcast_in_dim3A_177] : memref<128x16xf32, #tpu.memory_space<vmem>>[vector<16xi32>, vector<16xi32>], vector<16xf32>,
      %gather3A_179 = tpu.vector_load_idx %arg11[%add3A_109, %broadcast_in_dim3A_177] : memref<128x16xf32, #tpu.memory_space<vmem>>[vector<16xi32>, vector<16xi32>], vector<16xf32>,
      %mul3A_180 = arith.mulf %gather3A_178, %gather3A_179 : vector<16xf32>
      %add3A_181 = arith.addf %add3A_175, %mul3A_180 : vector<16xf32>
      %broadcast_in_dim3A_182 = arith.constant 12 : i32
      %broadcast_in_dim3A_183 = vector.broadcast %broadcast_in_dim3A_182 : i32 to vector<16xi32>
      %gather3A_184 = tpu.vector_load_idx %arg10[%add3A_109, %broadcast_in_dim3A_183] : memref<128x16xf32, #tpu.memory_space<vmem>>[vector<16xi32>, vector<16xi32>], vector<16xf32>,
      %gather3A_185 = tpu.vector_load_idx %arg11[%add3A_109, %broadcast_in_dim3A_183] : memref<128x16xf32, #tpu.memory_space<vmem>>[vector<16xi32>, vector<16xi32>], vector<16xf32>,
      %mul3A_186 = arith.mulf %gather3A_184, %gather3A_185 : vector<16xf32>
      %add3A_187 = arith.addf %add3A_181, %mul3A_186 : vector<16xf32>
      %broadcast_in_dim3A_188 = arith.constant 13 : i32
      %broadcast_in_dim3A_189 = vector.broadcast %broadcast_in_dim3A_188 : i32 to vector<16xi32>
      %gather3A_190 = tpu.vector_load_idx %arg10[%add3A_109, %broadcast_in_dim3A_189] : memref<128x16xf32, #tpu.memory_space<vmem>>[vector<16xi32>, vector<16xi32>], vector<16xf32>,
      %gather3A_191 = tpu.vector_load_idx %arg11[%add3A_109, %broadcast_in_dim3A_189] : memref<128x16xf32, #tpu.memory_space<vmem>>[vector<16xi32>, vector<16xi32>], vector<16xf32>,
      %mul3A_192 = arith.mulf %gather3A_190, %gather3A_191 : vector<16xf32>
      %add3A_193 = arith.addf %add3A_187, %mul3A_192 : vector<16xf32>
      %broadcast_in_dim3A_194 = arith.constant 14 : i32
      %broadcast_in_dim3A_195 = vector.broadcast %broadcast_in_dim3A_194 : i32 to vector<16xi32>
      %gather3A_196 = tpu.vector_load_idx %arg10[%add3A_109, %broadcast_in_dim3A_195] : memref<128x16xf32, #tpu.memory_space<vmem>>[vector<16xi32>, vector<16xi32>], vector<16xf32>,
      %gather3A_197 = tpu.vector_load_idx %arg11[%add3A_109, %broadcast_in_dim3A_195] : memref<128x16xf32, #tpu.memory_space<vmem>>[vector<16xi32>, vector<16xi32>], vector<16xf32>,
      %mul3A_198 = arith.mulf %gather3A_196, %gather3A_197 : vector<16xf32>
      %add3A_199 = arith.addf %add3A_193, %mul3A_198 : vector<16xf32>
      %broadcast_in_dim3A_200 = arith.constant 15 : i32
      %broadcast_in_dim3A_201 = vector.broadcast %broadcast_in_dim3A_200 : i32 to vector<16xi32>
      %gather3A_202 = tpu.vector_load_idx %arg10[%add3A_109, %broadcast_in_dim3A_201] : memref<128x16xf32, #tpu.memory_space<vmem>>[vector<16xi32>, vector<16xi32>], vector<16xf32>,
      %gather3A_203 = tpu.vector_load_idx %arg11[%add3A_109, %broadcast_in_dim3A_201] : memref<128x16xf32, #tpu.memory_space<vmem>>[vector<16xi32>, vector<16xi32>], vector<16xf32>,
      %mul3A_204 = arith.mulf %gather3A_202, %gather3A_203 : vector<16xf32>
      %add3A_205 = arith.addf %add3A_199, %mul3A_204 : vector<16xf32>
      %mul3A_206 = arith.constant 16 : i32
      %mul3A_207 = arith.muli %scan3A_105, %mul3A_206 : i32
      %add3A_208 = arith.constant 256 : i32
      %add3A_209 = arith.addi %add3A_208, %mul3A_207 : i32
      %get3A_210 = arith.index_cast %add3A_209 : i32 to index
      %get3A_211 = tpu.vector_load %arg16[%get3A_210] {strides = array<i32>} : memref<512xf32, #tpu.memory_space<vmem>>, vector<16xf32>,
      %get3A_212 = arith.index_cast %add3A_209 : i32 to index
      %get3A_213 = tpu.vector_load %arg17[%get3A_212] {strides = array<i32>} : memref<512xf32, #tpu.memory_space<vmem>>, vector<16xf32>,
      %add3A_214 = arith.addf %add3A_205, %get3A_211 : vector<16xf32>
      %add3A_215 = arith.addf %add3A_214, %get3A_213 : vector<16xf32>
      %add3A_216 = arith.addf %add3A_215, %get3A_19 : vector<16xf32>
      %swap3A = arith.index_cast %add3A_209 : i32 to index
      %swap3A_217 = tpu.vector_load %arg19[%swap3A] {strides = array<i32>} : memref<512xf32, #tpu.memory_space<vmem>>, vector<16xf32>,
      tpu.vector_store %arg19[%swap3A], %add3A_216 {strides = array<i32>} : memref<512xf32, #tpu.memory_space<vmem>>, vector<16xf32>,
    }
    %scan3A_90 = arith.constant 8 : i32
    %dma_wait3A_91 = arith.constant 0 : i32
    %dma_wait3A_92 = tpu.memref_slice %arg2[%add3A_68, %dma_wait3A_91] : memref<16384x16xf32, #tpu.memory_space<hbm>> -> memref<128x16xf32, #tpu.memory_space<hbm>>
    %dma_wait3A_93 = arith.constant 0 : i32
    %dma_wait3A_94 = tpu.memref_slice %arg2[%add3A_68, %dma_wait3A_93] : memref<16384x16xf32, #tpu.memory_space<hbm>> -> memref<128x16xf32, #tpu.memory_space<hbm>>
    tpu.wait_dma2 semaphore(%arg22 : memref<!tpu.dma_semaphore, #tpu.memory_space<semaphore_mem>>) src(%dma_wait3A_94 : memref<128x16xf32, #tpu.memory_space<hbm>>) dst(%arg12 : memref<128x16xf32, #tpu.memory_space<vmem>>)
    %dma_wait3A_95 = arith.constant 0 : i32
    %dma_wait3A_96 = tpu.memref_slice %arg3[%add3A_68, %dma_wait3A_95] : memref<16384x16xf32, #tpu.memory_space<hbm>> -> memref<128x16xf32, #tpu.memory_space<hbm>>
    %dma_wait3A_97 = arith.constant 0 : i32
    %dma_wait3A_98 = tpu.memref_slice %arg3[%add3A_68, %dma_wait3A_97] : memref<16384x16xf32, #tpu.memory_space<hbm>> -> memref<128x16xf32, #tpu.memory_space<hbm>>
    tpu.wait_dma2 semaphore(%arg22 : memref<!tpu.dma_semaphore, #tpu.memory_space<semaphore_mem>>) src(%dma_wait3A_98 : memref<128x16xf32, #tpu.memory_space<hbm>>) dst(%arg13 : memref<128x16xf32, #tpu.memory_space<vmem>>)
    %scan3A_99 = arith.constant 0 : i32
    %scan3A_100 = arith.constant 0 : i32
    %scan3A_101 = arith.constant 8 : i32
    %scan3A_102 = arith.addi %scan3A_100, %scan3A_101 : i32
    %scan3A_103 = arith.constant 1 : i32
    scf.for %scan3A_105 = %scan3A_100 to %scan3A_102 step %scan3A_103  : i32 {
      %mul3A_106 = arith.constant 16 : i32
      %mul3A_107 = arith.muli %scan3A_105, %mul3A_106 : i32
      %add3A_108 = vector.broadcast %mul3A_107 : i32 to vector<16xi32>
      %add3A_109 = arith.addi %add3A_108, %iota3A : vector<16xi32>
      %broadcast_in_dim3A = arith.constant 0.000000e+00 : f32
      %broadcast_in_dim3A_110 = vector.broadcast %broadcast_in_dim3A : f32 to vector<16xf32>
      %broadcast_in_dim3A_111 = arith.constant 0 : i32
      %broadcast_in_dim3A_112 = vector.broadcast %broadcast_in_dim3A_111 : i32 to vector<16xi32>
      %gather3A = tpu.vector_load_idx %arg12[%add3A_109, %broadcast_in_dim3A_112] : memref<128x16xf32, #tpu.memory_space<vmem>>[vector<16xi32>, vector<16xi32>], vector<16xf32>,
      %gather3A_113 = tpu.vector_load_idx %arg13[%add3A_109, %broadcast_in_dim3A_112] : memref<128x16xf32, #tpu.memory_space<vmem>>[vector<16xi32>, vector<16xi32>], vector<16xf32>,
      %mul3A_114 = arith.mulf %gather3A, %gather3A_113 : vector<16xf32>
      %add3A_115 = arith.addf %broadcast_in_dim3A_110, %mul3A_114 : vector<16xf32>
      %broadcast_in_dim3A_116 = arith.constant 1 : i32
      %broadcast_in_dim3A_117 = vector.broadcast %broadcast_in_dim3A_116 : i32 to vector<16xi32>
      %gather3A_118 = tpu.vector_load_idx %arg12[%add3A_109, %broadcast_in_dim3A_117] : memref<128x16xf32, #tpu.memory_space<vmem>>[vector<16xi32>, vector<16xi32>], vector<16xf32>,
      %gather3A_119 = tpu.vector_load_idx %arg13[%add3A_109, %broadcast_in_dim3A_117] : memref<128x16xf32, #tpu.memory_space<vmem>>[vector<16xi32>, vector<16xi32>], vector<16xf32>,
      %mul3A_120 = arith.mulf %gather3A_118, %gather3A_119 : vector<16xf32>
      %add3A_121 = arith.addf %add3A_115, %mul3A_120 : vector<16xf32>
      %broadcast_in_dim3A_122 = arith.constant 2 : i32
      %broadcast_in_dim3A_123 = vector.broadcast %broadcast_in_dim3A_122 : i32 to vector<16xi32>
      %gather3A_124 = tpu.vector_load_idx %arg12[%add3A_109, %broadcast_in_dim3A_123] : memref<128x16xf32, #tpu.memory_space<vmem>>[vector<16xi32>, vector<16xi32>], vector<16xf32>,
      %gather3A_125 = tpu.vector_load_idx %arg13[%add3A_109, %broadcast_in_dim3A_123] : memref<128x16xf32, #tpu.memory_space<vmem>>[vector<16xi32>, vector<16xi32>], vector<16xf32>,
      %mul3A_126 = arith.mulf %gather3A_124, %gather3A_125 : vector<16xf32>
      %add3A_127 = arith.addf %add3A_121, %mul3A_126 : vector<16xf32>
      %broadcast_in_dim3A_128 = arith.constant 3 : i32
      %broadcast_in_dim3A_129 = vector.broadcast %broadcast_in_dim3A_128 : i32 to vector<16xi32>
      %gather3A_130 = tpu.vector_load_idx %arg12[%add3A_109, %broadcast_in_dim3A_129] : memref<128x16xf32, #tpu.memory_space<vmem>>[vector<16xi32>, vector<16xi32>], vector<16xf32>,
      %gather3A_131 = tpu.vector_load_idx %arg13[%add3A_109, %broadcast_in_dim3A_129] : memref<128x16xf32, #tpu.memory_space<vmem>>[vector<16xi32>, vector<16xi32>], vector<16xf32>,
      %mul3A_132 = arith.mulf %gather3A_130, %gather3A_131 : vector<16xf32>
      %add3A_133 = arith.addf %add3A_127, %mul3A_132 : vector<16xf32>
      %broadcast_in_dim3A_134 = arith.constant 4 : i32
      %broadcast_in_dim3A_135 = vector.broadcast %broadcast_in_dim3A_134 : i32 to vector<16xi32>
      %gather3A_136 = tpu.vector_load_idx %arg12[%add3A_109, %broadcast_in_dim3A_135] : memref<128x16xf32, #tpu.memory_space<vmem>>[vector<16xi32>, vector<16xi32>], vector<16xf32>,
      %gather3A_137 = tpu.vector_load_idx %arg13[%add3A_109, %broadcast_in_dim3A_135] : memref<128x16xf32, #tpu.memory_space<vmem>>[vector<16xi32>, vector<16xi32>], vector<16xf32>,
      %mul3A_138 = arith.mulf %gather3A_136, %gather3A_137 : vector<16xf32>
      %add3A_139 = arith.addf %add3A_133, %mul3A_138 : vector<16xf32>
      %broadcast_in_dim3A_140 = arith.constant 5 : i32
      %broadcast_in_dim3A_141 = vector.broadcast %broadcast_in_dim3A_140 : i32 to vector<16xi32>
      %gather3A_142 = tpu.vector_load_idx %arg12[%add3A_109, %broadcast_in_dim3A_141] : memref<128x16xf32, #tpu.memory_space<vmem>>[vector<16xi32>, vector<16xi32>], vector<16xf32>,
      %gather3A_143 = tpu.vector_load_idx %arg13[%add3A_109, %broadcast_in_dim3A_141] : memref<128x16xf32, #tpu.memory_space<vmem>>[vector<16xi32>, vector<16xi32>], vector<16xf32>,
      %mul3A_144 = arith.mulf %gather3A_142, %gather3A_143 : vector<16xf32>
      %add3A_145 = arith.addf %add3A_139, %mul3A_144 : vector<16xf32>
      %broadcast_in_dim3A_146 = arith.constant 6 : i32
      %broadcast_in_dim3A_147 = vector.broadcast %broadcast_in_dim3A_146 : i32 to vector<16xi32>
      %gather3A_148 = tpu.vector_load_idx %arg12[%add3A_109, %broadcast_in_dim3A_147] : memref<128x16xf32, #tpu.memory_space<vmem>>[vector<16xi32>, vector<16xi32>], vector<16xf32>,
      %gather3A_149 = tpu.vector_load_idx %arg13[%add3A_109, %broadcast_in_dim3A_147] : memref<128x16xf32, #tpu.memory_space<vmem>>[vector<16xi32>, vector<16xi32>], vector<16xf32>,
      %mul3A_150 = arith.mulf %gather3A_148, %gather3A_149 : vector<16xf32>
      %add3A_151 = arith.addf %add3A_145, %mul3A_150 : vector<16xf32>
      %broadcast_in_dim3A_152 = arith.constant 7 : i32
      %broadcast_in_dim3A_153 = vector.broadcast %broadcast_in_dim3A_152 : i32 to vector<16xi32>
      %gather3A_154 = tpu.vector_load_idx %arg12[%add3A_109, %broadcast_in_dim3A_153] : memref<128x16xf32, #tpu.memory_space<vmem>>[vector<16xi32>, vector<16xi32>], vector<16xf32>,
      %gather3A_155 = tpu.vector_load_idx %arg13[%add3A_109, %broadcast_in_dim3A_153] : memref<128x16xf32, #tpu.memory_space<vmem>>[vector<16xi32>, vector<16xi32>], vector<16xf32>,
      %mul3A_156 = arith.mulf %gather3A_154, %gather3A_155 : vector<16xf32>
      %add3A_157 = arith.addf %add3A_151, %mul3A_156 : vector<16xf32>
      %broadcast_in_dim3A_158 = arith.constant 8 : i32
      %broadcast_in_dim3A_159 = vector.broadcast %broadcast_in_dim3A_158 : i32 to vector<16xi32>
      %gather3A_160 = tpu.vector_load_idx %arg12[%add3A_109, %broadcast_in_dim3A_159] : memref<128x16xf32, #tpu.memory_space<vmem>>[vector<16xi32>, vector<16xi32>], vector<16xf32>,
      %gather3A_161 = tpu.vector_load_idx %arg13[%add3A_109, %broadcast_in_dim3A_159] : memref<128x16xf32, #tpu.memory_space<vmem>>[vector<16xi32>, vector<16xi32>], vector<16xf32>,
      %mul3A_162 = arith.mulf %gather3A_160, %gather3A_161 : vector<16xf32>
      %add3A_163 = arith.addf %add3A_157, %mul3A_162 : vector<16xf32>
      %broadcast_in_dim3A_164 = arith.constant 9 : i32
      %broadcast_in_dim3A_165 = vector.broadcast %broadcast_in_dim3A_164 : i32 to vector<16xi32>
      %gather3A_166 = tpu.vector_load_idx %arg12[%add3A_109, %broadcast_in_dim3A_165] : memref<128x16xf32, #tpu.memory_space<vmem>>[vector<16xi32>, vector<16xi32>], vector<16xf32>,
      %gather3A_167 = tpu.vector_load_idx %arg13[%add3A_109, %broadcast_in_dim3A_165] : memref<128x16xf32, #tpu.memory_space<vmem>>[vector<16xi32>, vector<16xi32>], vector<16xf32>,
      %mul3A_168 = arith.mulf %gather3A_166, %gather3A_167 : vector<16xf32>
      %add3A_169 = arith.addf %add3A_163, %mul3A_168 : vector<16xf32>
      %broadcast_in_dim3A_170 = arith.constant 10 : i32
      %broadcast_in_dim3A_171 = vector.broadcast %broadcast_in_dim3A_170 : i32 to vector<16xi32>
      %gather3A_172 = tpu.vector_load_idx %arg12[%add3A_109, %broadcast_in_dim3A_171] : memref<128x16xf32, #tpu.memory_space<vmem>>[vector<16xi32>, vector<16xi32>], vector<16xf32>,
      %gather3A_173 = tpu.vector_load_idx %arg13[%add3A_109, %broadcast_in_dim3A_171] : memref<128x16xf32, #tpu.memory_space<vmem>>[vector<16xi32>, vector<16xi32>], vector<16xf32>,
      %mul3A_174 = arith.mulf %gather3A_172, %gather3A_173 : vector<16xf32>
      %add3A_175 = arith.addf %add3A_169, %mul3A_174 : vector<16xf32>
      %broadcast_in_dim3A_176 = arith.constant 11 : i32
      %broadcast_in_dim3A_177 = vector.broadcast %broadcast_in_dim3A_176 : i32 to vector<16xi32>
      %gather3A_178 = tpu.vector_load_idx %arg12[%add3A_109, %broadcast_in_dim3A_177] : memref<128x16xf32, #tpu.memory_space<vmem>>[vector<16xi32>, vector<16xi32>], vector<16xf32>,
      %gather3A_179 = tpu.vector_load_idx %arg13[%add3A_109, %broadcast_in_dim3A_177] : memref<128x16xf32, #tpu.memory_space<vmem>>[vector<16xi32>, vector<16xi32>], vector<16xf32>,
      %mul3A_180 = arith.mulf %gather3A_178, %gather3A_179 : vector<16xf32>
      %add3A_181 = arith.addf %add3A_175, %mul3A_180 : vector<16xf32>
      %broadcast_in_dim3A_182 = arith.constant 12 : i32
      %broadcast_in_dim3A_183 = vector.broadcast %broadcast_in_dim3A_182 : i32 to vector<16xi32>
      %gather3A_184 = tpu.vector_load_idx %arg12[%add3A_109, %broadcast_in_dim3A_183] : memref<128x16xf32, #tpu.memory_space<vmem>>[vector<16xi32>, vector<16xi32>], vector<16xf32>,
      %gather3A_185 = tpu.vector_load_idx %arg13[%add3A_109, %broadcast_in_dim3A_183] : memref<128x16xf32, #tpu.memory_space<vmem>>[vector<16xi32>, vector<16xi32>], vector<16xf32>,
      %mul3A_186 = arith.mulf %gather3A_184, %gather3A_185 : vector<16xf32>
      %add3A_187 = arith.addf %add3A_181, %mul3A_186 : vector<16xf32>
      %broadcast_in_dim3A_188 = arith.constant 13 : i32
      %broadcast_in_dim3A_189 = vector.broadcast %broadcast_in_dim3A_188 : i32 to vector<16xi32>
      %gather3A_190 = tpu.vector_load_idx %arg12[%add3A_109, %broadcast_in_dim3A_189] : memref<128x16xf32, #tpu.memory_space<vmem>>[vector<16xi32>, vector<16xi32>], vector<16xf32>,
      %gather3A_191 = tpu.vector_load_idx %arg13[%add3A_109, %broadcast_in_dim3A_189] : memref<128x16xf32, #tpu.memory_space<vmem>>[vector<16xi32>, vector<16xi32>], vector<16xf32>,
      %mul3A_192 = arith.mulf %gather3A_190, %gather3A_191 : vector<16xf32>
      %add3A_193 = arith.addf %add3A_187, %mul3A_192 : vector<16xf32>
      %broadcast_in_dim3A_194 = arith.constant 14 : i32
      %broadcast_in_dim3A_195 = vector.broadcast %broadcast_in_dim3A_194 : i32 to vector<16xi32>
      %gather3A_196 = tpu.vector_load_idx %arg12[%add3A_109, %broadcast_in_dim3A_195] : memref<128x16xf32, #tpu.memory_space<vmem>>[vector<16xi32>, vector<16xi32>], vector<16xf32>,
      %gather3A_197 = tpu.vector_load_idx %arg13[%add3A_109, %broadcast_in_dim3A_195] : memref<128x16xf32, #tpu.memory_space<vmem>>[vector<16xi32>, vector<16xi32>], vector<16xf32>,
      %mul3A_198 = arith.mulf %gather3A_196, %gather3A_197 : vector<16xf32>
      %add3A_199 = arith.addf %add3A_193, %mul3A_198 : vector<16xf32>
      %broadcast_in_dim3A_200 = arith.constant 15 : i32
      %broadcast_in_dim3A_201 = vector.broadcast %broadcast_in_dim3A_200 : i32 to vector<16xi32>
      %gather3A_202 = tpu.vector_load_idx %arg12[%add3A_109, %broadcast_in_dim3A_201] : memref<128x16xf32, #tpu.memory_space<vmem>>[vector<16xi32>, vector<16xi32>], vector<16xf32>,
      %gather3A_203 = tpu.vector_load_idx %arg13[%add3A_109, %broadcast_in_dim3A_201] : memref<128x16xf32, #tpu.memory_space<vmem>>[vector<16xi32>, vector<16xi32>], vector<16xf32>,
      %mul3A_204 = arith.mulf %gather3A_202, %gather3A_203 : vector<16xf32>
      %add3A_205 = arith.addf %add3A_199, %mul3A_204 : vector<16xf32>
      %mul3A_206 = arith.constant 16 : i32
      %mul3A_207 = arith.muli %scan3A_105, %mul3A_206 : i32
      %add3A_208 = arith.constant 384 : i32
      %add3A_209 = arith.addi %add3A_208, %mul3A_207 : i32
      %get3A_210 = arith.index_cast %add3A_209 : i32 to index
      %get3A_211 = tpu.vector_load %arg16[%get3A_210] {strides = array<i32>} : memref<512xf32, #tpu.memory_space<vmem>>, vector<16xf32>,
      %get3A_212 = arith.index_cast %add3A_209 : i32 to index
      %get3A_213 = tpu.vector_load %arg17[%get3A_212] {strides = array<i32>} : memref<512xf32, #tpu.memory_space<vmem>>, vector<16xf32>,
      %add3A_214 = arith.addf %add3A_205, %get3A_211 : vector<16xf32>
      %add3A_215 = arith.addf %add3A_214, %get3A_213 : vector<16xf32>
      %add3A_216 = arith.addf %add3A_215, %get3A_19 : vector<16xf32>
      %swap3A = arith.index_cast %add3A_209 : i32 to index
      %swap3A_217 = tpu.vector_load %arg19[%swap3A] {strides = array<i32>} : memref<512xf32, #tpu.memory_space<vmem>>, vector<16xf32>,
      tpu.vector_store %arg19[%swap3A], %add3A_216 {strides = array<i32>} : memref<512xf32, #tpu.memory_space<vmem>>, vector<16xf32>,
    }
    %scan3A_104 = arith.constant 8 : i32
    "tpu.region"() ({
      %run_scoped3A = tpu.sem_alloc : memref<!tpu.dma_semaphore, #tpu.memory_space<semaphore_mem>>
      %dma_start3A_105 = tpu.memref_slice %arg9[%mul3A_2] : memref<16384xf32, #tpu.memory_space<hbm>> -> memref<512xf32, #tpu.memory_space<hbm>>
      %dma_start3A_106 = tpu.memref_slice %arg9[%mul3A_2] : memref<16384xf32, #tpu.memory_space<hbm>> -> memref<512xf32, #tpu.memory_space<hbm>>
      tpu.enqueue_dma source(%arg19 : memref<512xf32, #tpu.memory_space<vmem>>) target(%dma_start3A_106 : memref<512xf32, #tpu.memory_space<hbm>>) target_semaphore(%run_scoped3A : memref<!tpu.dma_semaphore, #tpu.memory_space<semaphore_mem>>)
      %dma_wait3A_107 = tpu.memref_slice %arg9[%mul3A_2] : memref<16384xf32, #tpu.memory_space<hbm>> -> memref<512xf32, #tpu.memory_space<hbm>>
      %dma_wait3A_108 = tpu.memref_slice %arg9[%mul3A_2] : memref<16384xf32, #tpu.memory_space<hbm>> -> memref<512xf32, #tpu.memory_space<hbm>>
      tpu.wait_dma2 semaphore(%run_scoped3A : memref<!tpu.dma_semaphore, #tpu.memory_space<semaphore_mem>>) src(%arg19 : memref<512xf32, #tpu.memory_space<vmem>>) dst(%dma_wait3A_108 : memref<512xf32, #tpu.memory_space<hbm>>)
      tpu.yield
    }) : () -> ()
    return
  }
}

</mosaic_0001>

<sc_bundles>
// kernel: _run.3.cloned.1.call-start
scs
__scs_entry_jumppad:
0x0: {  	(pc) =	sbr.rel $0x88, $3  }
0x1: {  	(tag) =	ssettag $0x0;
	lr =	simm.s32 $0x1  }
0x2: {  	[smem:$0x3F9A] =	sst lr;
	_ =	strace $0xD0000000  }
0x3: {  	_ = 	snop  }
0x4: {  	_ = 	snop  }
0x5: {  	_ = 	snop  }
0x6: {  	_ = 	snop  }
0x7: {  	_ = 	snop  }
__scs_overlays_trampoline_lowered:
0x8: {  	[smem:$0x3FA9] =	sst s0  }
0x9: {  	[smem:$0x3FAA] =	sst s1  }
0xa: {  	[smem:$0x3FAB] =	sst s2  }
0xb: {  	[smem:$0x3FAC] =	sst s3  }
0xc: {  	[smem:$0x3FAD] =	sst s4  }
0xd: {  	[smem:$0x3FAE] =	sst s5  }
0xe: {  	[smem:$0x3FAF] =	sst s6  }
0xf: {  	[smem:$0x3FB0] =	sst s7  }
0x10: {  	[smem:$0x3FB1] =	sst s8  }
0x11: {  	[smem:$0x3FB2] =	sst s9;
	s0 =	simm.s32 @!p0 $0x0  }
0x12: {  	s1 =	sld [smem:$0x3F98];
	s0 =	simm.s32 @p0 $0x1  }
0x13: {  	[smem:$0x3FB3] =	sst s0;
	s0 =	simm.s32 @!p1 $0x0  }
0x14: {  	s2 =	sld [smem:$0x3F97];
	s0 =	simm.s32 @p1 $0x1  }
0x15: {  	[smem:$0x3FB4] =	sst s0;
	s0 =	simm.s32 @!p2 $0x0  }
0x16: {  	s3 =	sld [smem:$0x3FDB];
	s0 =	simm.s32 @p2 $0x1  }
0x17: {  	s4 =	simm.s32 $0x1BF5;
	[smem:$0x3FB6] =	sst s0  }
0x18: {  	s0 =	sld [smem:$0x3F99];
	_ =	swait.ge [sflag:s4], $0x0  }
0x19: {  	s7 =	sld [smem:$0x3F9A]  }
0x1a: {  	s8 =	sadd.s32 $0xFFFFE003, lr  }
0x1b: {  	s9 =	sadd.s32 $0xFFFFFEF7, lr;
	s5 =	simm.s32 $0xFFFFFFFF;
	p2 =	slt.u32 s8, $0xFFFFF086  }
0x1c: {  	p1 =	slt.u32 s9, $0xF7A;
	s5 =	simm.s32 @!p2 $0x0  }
0x1d: {  	s5 =	simm.s32 @p1 $0x1;
	p0 =	seq.s32 s7, s2  }
0x1e: {  	s7 =	smul.u32 @!p0 $0xF7A, s2;
	p2 =	seq.s32 @!p0 s5, $0x0  }
0x1f: {  	s9 =	smul.u32 $0xF7A, s1;
	s8 =	simm.s32 @!p0 $0x1BF5;
	p2 =	por !p2, p0  }
0x20: {  	[sflag:s8] =	ssyncset.s32 @!p0 $0xFFFFF086;
	s6 =	sadd.s32 @!p0 s3, s7;
	s7 =	simm.s32 @!p0 $0x108  }
0x21: {  	s3 =	sadd.s32 s3, s9;
	s6 =	sadd.s32 @!p0 $0x88, s6;
	s7 =	simm.s32 @p2 $0x1082  }
0x22: {  	[simem:s7], [sflag:s8] =	dma.local @!p0 [hbm:s6], $0xF7A  }
0x23: {  	s9 =	sor.u32 $0xD0000000, s2;
	s6 =	simm.s32 $0x108;
	_ =	swait.ge @!p0 [sflag:s8], $0x0  }
0x24: {  	s3 =	sadd.s32 $0x88, s3;
	s6 =	simm.s32 @!p1 $0x1082;
	[sflag:s4] =	ssyncset.s32 $0xFFFFF086  }
0x25: {  	[simem:s6], [sflag:s4] =	dma.local [hbm:s3], $0xF7A  }
0x26: {  	[smem:$0x3F9A] =	sst s1;
	(tag) =	ssettag s2;
	_ =	strace s9  }
0x27: {  	s1 =	sld [smem:$0x3FAA]  }
0x28: {  	s2 =	sld [smem:$0x3FAB]  }
0x29: {  	s4 =	sld [smem:$0x3FAD]  }
0x2a: {  	p0 =	seq.s32 s5, $0x0;
	s5 =	sld [smem:$0x3FAE]  }
0x2b: {  	s6 =	sld [smem:$0x3FAF]  }
0x2c: {  	s7 =	sld [smem:$0x3FB0]  }
0x2d: {  	s3 =	simm.s32 $0x108;
	s8 =	sld [smem:$0x3FB1]  }
0x2e: {  	s3 =	simm.s32 @!p0 $0x1082;
	s9 =	sld [smem:$0x3FB2]  }
0x2f: {  	lr =	sadd.s32 s0, s3;
	s0 =	sld [smem:$0x3FA9]  }
0x30: {  	s3 =	sld [smem:$0x3FAC]  }
0x31: {  	[smem:$0x3FB5] =	sst s10  }
0x32: {  	s10 =	sld [smem:$0x3FB3];
	_ =	sdelay $0x3  }
0x33: {  	p0 =	seq.s32 s10, $0x1;
	s10 =	sld [smem:$0x3FB5];
	_ =	sdelay $0x3  }
0x34: {  	[smem:$0x3FB5] =	sst s10  }
0x35: {  	s10 =	sld [smem:$0x3FB4];
	_ =	sdelay $0x3  }
0x36: {  	p1 =	seq.s32 s10, $0x1;
	s10 =	sld [smem:$0x3FB5];
	_ =	sdelay $0x3  }
0x37: {  	[smem:$0x3FB5] =	sst s10  }
0x38: {  	s10 =	sld [smem:$0x3FB6]  }
0x39: {  	_ = 	snop;
	(pc) =	sbr.ind lr, $3  }
0x3a: {  	_ = 	snop  }
0x3b: {  	_ = 	snop  }
0x3c: {  	p2 =	seq.s32 s10, $0x1;
	s10 =	sld [smem:$0x3FB5]  }
0x3d: {  	_ =	shalt  }
0x3e: {  	_ =	shalt  }
0x3f: {  	_ =	shalt  }
0x40: {  	_ =	shalt  }
0x41: {  	_ =	shalt  }
0x42: {  	_ =	shalt  }
0x43: {  	_ =	shalt  }
0x44: {  	_ =	shalt  }
0x45: {  	_ =	shalt  }
0x46: {  	_ =	shalt  }
0x47: {  	_ =	shalt  }
0x48: {  	_ =	shalt  }
0x49: {  	_ =	shalt  }
0x4a: {  	_ =	shalt  }
0x4b: {  	_ =	shalt  }
0x4c: {  	_ =	shalt  }
0x4d: {  	_ =	shalt  }
0x4e: {  	_ =	shalt  }
0x4f: {  	_ =	shalt  }
0x50: {  	_ =	shalt  }
0x51: {  	_ =	shalt  }
0x52: {  	_ =	shalt  }
0x53: {  	_ =	shalt  }
0x54: {  	_ =	shalt  }
0x55: {  	_ =	shalt  }
0x56: {  	_ =	shalt  }
0x57: {  	_ =	shalt  }
0x58: {  	_ =	shalt  }
0x59: {  	_ =	shalt  }
0x5a: {  	_ =	shalt  }
0x5b: {  	_ =	shalt  }
0x5c: {  	_ =	shalt  }
0x5d: {  	_ =	shalt  }
0x5e: {  	_ =	shalt  }
0x5f: {  	_ =	shalt  }
0x60: {  	_ =	shalt  }
0x61: {  	_ =	shalt  }
0x62: {  	_ =	shalt  }
0x63: {  	_ =	shalt  }
0x64: {  	_ =	shalt  }
0x65: {  	_ =	shalt  }
0x66: {  	_ =	shalt  }
0x67: {  	_ =	shalt  }
0x68: {  	_ =	shalt  }
0x69: {  	_ =	shalt  }
0x6a: {  	_ =	shalt  }
0x6b: {  	_ =	shalt  }
0x6c: {  	_ =	shalt  }
0x6d: {  	_ =	shalt  }
0x6e: {  	_ =	shalt  }
0x6f: {  	_ =	shalt  }
0x70: {  	_ =	shalt  }
0x71: {  	_ =	shalt  }
0x72: {  	_ =	shalt  }
0x73: {  	_ =	shalt  }
0x74: {  	_ =	shalt  }
0x75: {  	_ =	shalt  }
0x76: {  	_ =	shalt  }
0x77: {  	_ =	shalt  }
0x78: {  	_ =	shalt  }
0x79: {  	_ =	shalt  }
0x7a: {  	_ =	shalt  }
0x7b: {  	_ =	shalt  }
0x7c: {  	_ =	shalt  }
0x7d: {  	_ =	shalt  }
0x7e: {  	_ =	shalt  }
0x7f: {  	_ =	shalt  }
0x80: {  	_ =	shalt  }
0x81: {  	_ =	shalt  }
0x82: {  	_ =	shalt  }
0x83: {  	_ =	shalt  }
0x84: {  	_ =	shalt  }
0x85: {  	_ =	shalt  }
0x86: {  	_ =	shalt  }
0x87: {  	_ =	shalt  }
.Lfunc_end0:
.L_simem_size_0:
called_computation_lowered:
.L_overlay_start_0:
0x88: {  	s2 =	sld [smem:$0x3FD9]  }
0x89: {  	s3 =	sld [smem:$0x3FFE];
	_ =	sdelay $0x1  }
0x8a: {  	s1 =	srdreg.scid  }
0x8b: {  	s0 =	sand.u32 $0x1, s1  }
0x8c: {  	s17 =	sshll.u32 s0, $0xA;
	s2 =	sadd.s32 s3, s2  }
0x8d: {  	s2 =	sadd.s32 s2, s17  }
0x8e: {  	[smem:$0x3FC1] =	sst s2  }
0x8f: {  	_ = 	snop  }
0x90: {  	s2 =	sld [smem:$0x3FC7]  }
0x91: {  	s18 =	sld [smem:$0x3FC6]  }
0x92: {  	s4 =	sld [smem:$0x3FC5]  }
0x93: {  	s5 =	sld [smem:$0x3FC4]  }
0x94: {  	s6 =	sld [smem:$0x3FC3]  }
0x95: {  	s7 =	sld [smem:$0x3FD0];
	(tm) =	ssettm $0x1  }
0x96: {  	s8 =	sld [smem:$0x3FFB];
	_ =	sdelay $0x3  }
0x97: {  	_ =	strace s8  }
0x98: {  	s8 =	sld [smem:$0x3FFC];
	_ =	sdelay $0x3  }
0x99: {  	_ =	strace s8  }
0x9a: {  	s8 =	sld [smem:$0x3FFD];
	_ =	sdelay $0x3  }
0x9b: {  	_ =	strace s8  }
0x9c: {  	_ =	strace $0x8FFFFFFF  }
0x9d: {  	s19 =	sld [smem:$0x3FDB];
	_ =	sdelay $0x1  }
0x9e: {  	s9 =	simm.s32 $_scs_section_size  }
0x9f: {  	s10 =	simm.s32 $_size__tile_overlayer_lowered;
	s11 =	simm.s32 $_tile_overlayer_lowered  }
0xa0: {  	s22 =	simm.s32 $0x1BFF;
	s21 =	sshll.u32 s11, $0x1;
	s8 =	sadd.s32 s9, s19  }
0xa1: {  	s12 =	simm.s32 $0x0;
	s20 =	sshll.u32 s10, $0x1;
	s10 =	sadd.s32 s21, s8  }
0xa2: {  	[timem:s12], [sflag:s22] =	dma.local [hbm:s10], s20  }
0xa3: {  	_ =	swait.ge [sflag:s22], s20  }
0xa4: {  	s9 =	ssub.s32 $0x0, s20;
	[sflag:s22] =	ssyncset.done $0x0  }
0xa5: {  	[sflag:s22] =	ssyncadd.s32 s9;
	_ =	sdelay $0x1  }
0xa6: {  	s23 =	simm.s32 $0x1B8B  }
0xa7: {  	_ =	swait.ge [sflag:s23], $0x1  }
0xa8: {  	[sflag:s23] =	ssyncset.done $0x0  }
0xa9: {  	s25 =	simm.s32 $0x1B8E;
	s24 =	sld [smem:$0x3FFE];
	[sflag:s23] =	ssyncadd.s32 $0xFFFFFFFF  }
0xaa: {  	s26 =	simm.s32 $execute0_lowered;
	[smem:$0x3FD2] =	sst s25  }
0xab: {  	s10 =	sshll.u32 s26, $0x1;
	_ =	strace $0x80000046;
	[dreg:$0x1] =	wrdreg $0xFFFFFFFF  }
0xac: {  	s28 =	simm.s32 $_size_execute0_lowered;
	s8 =	sadd.s32 s8, s10;
	[dreg:$0x0] =	wrdreg $0x0  }
0xad: {  	s10 =	sshll.u32 s28, $0x1;
	[dreg:$0x2] =	wrdreg s8  }
0xae: {  	[dreg:$0x3] =	wrdreg s10  }
0xaf: {  	[dreg:$0x4] =	wrdreg $0xC0  }
0xb0: {  	_ =	task [dreg:s12], $0x5FFFF  }
0xb1: {  	[dreg:$0x1] =	wrdreg $0xFFFFFFFF  }
0xb2: {  	[dreg:$0x0] =	wrdreg $0x60  }
0xb3: {  	[dreg:$0x2] =	wrdreg s24  }
0xb4: {  	[dreg:$0x3] =	wrdreg s2  }
0xb5: {  	[dreg:$0x4] =	wrdreg s18  }
0xb6: {  	[dreg:$0x5] =	wrdreg s4  }
0xb7: {  	[dreg:$0x6] =	wrdreg s5  }
0xb8: {  	[dreg:$0x7] =	wrdreg s6  }
0xb9: {  	[dreg:$0x8] =	wrdreg s7  }
0xba: {  	[dreg:$0x9] =	wrdreg $0x9  }
0xbb: {  	_ =	task.clear_ibuf [dreg:s12], $0xAFFFF;
	_ =	strace $0x90000046  }
0xbc: {  	s29 =	simm.s32 $0x9;
	_ =	strace $0x80000048  }
0xbd: {  	_ =	swait.ge [sflag:s29], $0x1  }
0xbe: {  	[sflag:s29] =	ssyncadd.s32 $0xFFFFFFFF  }
0xbf: {  	_ =	strace $0x90000048  }
0xc0: {  	_ =	sfence  }
0xc1: {  	s30 =	sld [smem:$0x0];
	_ =	sdelay $0x2  }
0xc2: {  	s31 =	sshll.u32 s1, $0xD;
	s1 =	sshrl.u32 s1, $0x2  }
0xc3: {  	s3 =	sand.u32 $0x4000, s31;
	s1 =	sadd.s32 s1, s30  }
0xc4: {  	s0 =	sor.u32 s3, s0;
	s1 =	sshll.u32 s1, $0x11  }
0xc5: {  	s0 =	sor.u32 s1, s0  }
0xc6: {  	s0 =	sadd.s32 $0x8F2B, s0  }
0xc7: {  	[sflag:s0] =	ssyncadd.remote.s32 $0x1  }
0xc8: {  	_ =	sfence.sel $0xFFFF  }
0xc9: {  	[dreg:$0x0] =	wrdreg $0xFFFFFFFF;
	(pc) =	sbr.abs _section_cstart, $3  }
0xca: {  	[dreg:$0x1] =	wrdreg $0xFFFFFFFF  }
0xcb: {  	_ =	task.clear_ibuf [dreg:s12], $0x2FFFF;
	_ =	strace $0x9FFFFFFF  }
0xcc: {  	(tm) =	ssettm $0x7FFFFFFF  }
0xcd: {  	_ =	shalt  }
tec
execute0_lowered:
.L_overlay_start_1:
0x0: {  	(tag) =	ssettag $0x1  }
0x1: {  	s0 =	rddreg [dreg:$0x0]  }
0x2: {  	s1 =	rddreg [dreg:$0x1]  }
0x3: {  	s2 =	rddreg [dreg:$0x2]  }
0x4: {  	s3 =	rddreg [dreg:$0x5]  }
0x5: {  	s4 =	rddreg [dreg:$0x6];
	s5 =	simm.s32 $0x0;
	s6 =	srdreg.scid  }
0x6: {  	s7 =	stileid.u32;
	s18 =	simm.s32 $0x10000;
	s19 =	simm.s32 $0x4  }
0x7: {  	s20 =	simm.s32 $0x10200;
	s21 =	simm.s32 $0x200;
	s22 =	simm.s32 $0x4000  }
0x8: {  	s23 =	simm.s32 $0x10800;
	s28 =	simm.s32 $0x2;
	s29 =	simm.s32 $0x3  }
0x9: {  	s30 =	simm.s32 $0x10880;
	s31 =	simm.s32 $0x0;
	[smem:$0x7FF] =	sst s5  }
0xa: {  	s6 =	sand.u32 $0x1, s6;
	s7 =	sshll.u32 s7, $0xA;
	s14 =	sadd.s32 $0x600, s0  }
0xb: {  	s0 =	sadd.s32 $0x40600, s0;
	s8 =	sshll.u32 s6, $0x9;
	s6 =	ssub.s32 $0x2, s6  }
0xc: {  	_ =	strace $0x80000047;
	s7 =	sor.u32 s8, s7;
	s24 =	sshrl.u32 s6, $0x1  }
0xd: {  	s16 =	sshrl.u32 s7, $0x3;
	s17 =	ssub.s32 s6, s24;
	s25 =	sshll.u32 s7, $0x4  }
0xe: {  	s24 =	simm.s32 $0x1;
	s6 =	sadd.s32 s1, s16;
	s7 =	sadd.s32 s2, s16  }
0xf: {  	s8 =	sadd.s32 s14, s25;
	s26 =	sor.u32 $0x800, s25;
	s9 =	sadd.s32 s0, s25  }
0x10: {  	s13 =	sor.u32 $0x1000, s25;
	s1 =	sor.u32 $0x1800, s25;
	s16 =	sadd.s32 s4, s16  }
0x11: {  	v0 =	vlaneseq.u32;
	s17 =	smax.u32 s17, $0x1;
	s25 =	simm.s32 $0x8000;
	s10 =	sadd.s32 s14, s26  }
0x12: {  	v0 =	vmul.u32 $0x80, v0;
	s11 =	sadd.s32 s0, s26;
	s12 =	sadd.s32 s14, s13;
	s13 =	sadd.s32 s0, s13  }
0x13: {  	s14 =	sadd.s32 s14, s1;
	s15 =	sadd.s32 s0, s1;
	s26 =	simm.s32 $0xC000  }
.LBB2_1:
0x14: {  	[tilespmem:s18], [sflag:$0x4] =	stream.linear.gather [hbm4b:s6+s5], $0x200, $0x38;
	[tilespmem:$0x10A80] =	vst v63  }
0x15: {  	_ =	swait.ge [sflag:s19], $0x200  }
0x16: {  	[sflag:s19] =	ssyncset.done $0x0  }
0x17: {  	[sflag:s19] =	ssyncadd.s32 $0xFFFFFE00  }
0x18: {  	[tilespmem:s20], [sflag:$0x4] =	stream.linear.gather [hbm4b:s7+s5], $0x200, $0x38;
	[tilespmem:$0x10A80] =	vst v63  }
0x19: {  	_ =	swait.ge [sflag:s19], $0x200  }
0x1a: {  	[sflag:s19] =	ssyncset.done $0x0  }
0x1b: {  	[sflag:s19] =	ssyncadd.s32 $0xFFFFFE00  }
0x1c: {  	s1 =	simm.s32 $0x10400;
	s0 =	rddreg [dreg:$0x3]  }
0x1d: {  	[tilespmem:s1], [sflag:$0x1] =	stream.indirect.gather [hbm4b:s0+s21], $0x1, s18, s21, $0xb8;
	[tilespmem:$0x10A80] =	vst v63  }
0x1e: {  	s4 =	simm.s32 $0x10600;
	s2 =	rddreg [dreg:$0x4]  }
0x1f: {  	[tilespmem:s4], [sflag:$0x1] =	stream.indirect.gather [hbm4b:s2+s21], $0x1, s20, s21, $0xb8;
	[tilespmem:$0x10A80] =	vst v63  }
0x20: {  	_ = 	snop  }
0x21: {  	[tilespmem:s5], [sflag:$0x2] =	stream.linear.gather [hbm4b:s8+s5], $0x4000, $0x38;
	[tilespmem:$0x10A80] =	vst v63  }
0x22: {  	_ = 	snop  }
0x23: {  	[tilespmem:s22], [sflag:$0x2] =	stream.linear.gather [hbm4b:s9+s5], $0x4000, $0x38;
	[tilespmem:$0x10A80] =	vst v63  }
0x24: {  	_ = 	snop  }
0x25: {  	[tilespmem:s23], [sflag:$0x4] =	stream.linear.gather [hbm4b:s3+s5], $0x80, $0x38;
	[tilespmem:$0x10A80] =	vst v63  }
0x26: {  	_ =	swait.ge [sflag:s19], $0x80  }
0x27: {  	[sflag:s19] =	ssyncset.done $0x0  }
0x28: {  	[sflag:s19] =	ssyncadd.s32 $0xFFFFFF80  }
0x29: {  	_ =	swait.ge [sflag:s24], $0x200  }
0x2a: {  	[sflag:s24] =	ssyncset.done $0x0  }
0x2b: {  	[sflag:s24] =	ssyncadd.s32 $0xFFFFFE00  }
0x2c: {  	_ =	swait.ge [sflag:s24], $0x200  }
0x2d: {  	[sflag:s24] =	ssyncset.done $0x0  }
0x2e: {  	[sflag:s24] =	ssyncadd.s32 $0xFFFFFE00  }
0x2f: {  	v1 =	vld [tilespmem:$0x10800];
	[tilespmem:s25], [sflag:$0x3] =	stream.linear.gather [hbm4b:s10+s5], $0x4000, $0x38  }
0x30: {  	_ = 	snop  }
0x31: {  	v2 =	vmov s5;
	[tilespmem:s26], [sflag:$0x3] =	stream.linear.gather [hbm4b:s11+s5], $0x4000, $0x38;
	[tilespmem:$0x10A80] =	vst v63  }
0x32: {  	v2 =	vshll.u32 v2, $0x7;
	_ =	swait.ge [sflag:s28], $0x4000  }
0x33: {  	v2 =	vor.u32 v0, v2;
	[sflag:s28] =	ssyncset.done $0x0  }
0x34: {  	[sflag:s28] =	ssyncadd.s32 $0xFFFFC000  }
0x35: {  	v3 =	vor.u32 $0x1, v2;
	_ =	swait.ge [sflag:s28], $0x4000  }
0x36: {  	[sflag:s28] =	ssyncset.done $0x0  }
0x37: {  	v4 =	vor.u32 $0x2, v2;
	[sflag:s28] =	ssyncadd.s32 $0xFFFFC000  }
0x38: {  	v5 =	vld.idx.msk [tilespmem:v2+s22+$0x0], $0xffff  }
0x39: {  	v7 =	vor.u32 $0x3, v2;
	v6 =	vld.idx.msk [tilespmem:v2+s5+$0x0], $0xffff  }
0x3a: {  	v8 =	vld.idx.msk [tilespmem:v3+s5+$0x0], $0xffff  }
0x3b: {  	v9 =	vor.u32 $0x4, v2;
	v3 =	vld.idx.msk [tilespmem:v3+s22+$0x0], $0xffff  }
0x3c: {  	v10 =	vld.idx.msk [tilespmem:v4+s5+$0x0], $0xffff  }
0x3d: {  	v11 =	vor.u32 $0x5, v2;
	v4 =	vld.idx.msk [tilespmem:v4+s22+$0x0], $0xffff  }
0x3e: {  	v12 =	vld.idx.msk [tilespmem:v7+s5+$0x0], $0xffff;
	v5 =	vmul.f32 v5, v6  }
0x3f: {  	v6 =	vld.idx.msk [tilespmem:v7+s22+$0x0], $0xffff;
	v7 =	vor.u32 $0x6, v2  }
0x40: {  	v13 =	vld.idx.msk [tilespmem:v9+s5+$0x0], $0xffff;
	v3 =	vmul.f32 v3, v8;
	v5 =	vadd.f32 $0.0e+00, v5  }
0x41: {  	v20 =	vor.u32 $0x7, v2;
	v19 =	vld.idx.msk [tilespmem:v9+s22+$0x0], $0xffff  }
0x42: {  	v14 =	vld.idx.msk [tilespmem:v11+s5+$0x0], $0xffff;
	v4 =	vmul.f32 v4, v10;
	v3 =	vadd.f32 v3, v5  }
0x43: {  	v21 =	vor.u32 $0x8, v2;
	v5 =	vld.idx.msk [tilespmem:v11+s22+$0x0], $0xffff  }
0x44: {  	v22 =	vld.idx.msk [tilespmem:v7+s5+$0x0], $0xffff;
	v3 =	vadd.f32 v4, v3;
	v4 =	vmul.f32 v6, v12  }
0x45: {  	v6 =	vld.idx.msk [tilespmem:v7+s22+$0x0], $0xffff;
	v7 =	vor.u32 $0x9, v2  }
0x46: {  	v23 =	vld.idx.msk [tilespmem:v20+s5+$0x0], $0xffff;
	v3 =	vadd.f32 v4, v3;
	v4 =	vmul.f32 v19, v13  }
0x47: {  	v25 =	vor.u32 $0xA, v2;
	v24 =	vld.idx.msk [tilespmem:v20+s22+$0x0], $0xffff  }
0x48: {  	v26 =	vld.idx.msk [tilespmem:v21+s5+$0x0], $0xffff;
	v3 =	vadd.f32 v4, v3;
	v4 =	vmul.f32 v5, v14  }
0x49: {  	v27 =	vor.u32 $0xB, v2;
	v5 =	vld.idx.msk [tilespmem:v21+s22+$0x0], $0xffff  }
0x4a: {  	v28 =	vld.idx.msk [tilespmem:v7+s5+$0x0], $0xffff;
	v3 =	vadd.f32 v4, v3;
	v4 =	vmul.f32 v6, v22  }
0x4b: {  	v6 =	vld.idx.msk [tilespmem:v7+s22+$0x0], $0xffff;
	v7 =	vor.u32 $0xC, v2  }
0x4c: {  	v29 =	vld.idx.msk [tilespmem:v25+s5+$0x0], $0xffff;
	v3 =	vadd.f32 v4, v3;
	v4 =	vmul.f32 v24, v23  }
0x4d: {  	v31 =	vor.u32 $0xD, v2;
	v30 =	vld.idx.msk [tilespmem:v25+s22+$0x0], $0xffff  }
0x4e: {  	v32 =	vld.idx.msk [tilespmem:v27+s5+$0x0], $0xffff;
	v3 =	vadd.f32 v4, v3;
	v4 =	vmul.f32 v5, v26  }
0x4f: {  	v33 =	vor.u32 $0xE, v2;
	v5 =	vld.idx.msk [tilespmem:v27+s22+$0x0], $0xffff  }
0x50: {  	v34 =	vld.idx.msk [tilespmem:v7+s5+$0x0], $0xffff;
	v3 =	vadd.f32 v4, v3;
	v4 =	vmul.f32 v6, v28  }
0x51: {  	v2 =	vor.u32 $0xF, v2;
	v6 =	vld.idx.msk [tilespmem:v7+s22+$0x0], $0xffff  }
0x52: {  	v35 =	vld.idx.msk [tilespmem:v31+s22+$0x0], $0xffff;
	v3 =	vadd.f32 v4, v3;
	v4 =	vmul.f32 v30, v29  }
0x53: {  	v7 =	vld.idx.msk [tilespmem:v31+s5+$0x0], $0xffff  }
0x54: {  	v36 =	vld.idx.msk [tilespmem:v33+s5+$0x0], $0xffff;
	v3 =	vadd.f32 v4, v3;
	v4 =	vmul.f32 v5, v32  }
0x55: {  	v5 =	vld.idx.msk [tilespmem:v33+s22+$0x0], $0xffff  }
0x56: {  	v37 =	vld.idx.msk [tilespmem:v2+s5+$0x0], $0xffff;
	v3 =	vadd.f32 v4, v3;
	v4 =	vmul.f32 v6, v34  }
0x57: {  	v2 =	vld.idx.msk [tilespmem:v2+s22+$0x0], $0xffff  }
0x58: {  	v3 =	vadd.f32 v4, v3;
	v4 =	vmul.f32 v35, v7;
	_ =	sdelay $0x1  }
0x59: {  	v3 =	vadd.f32 v4, v3;
	v4 =	vmul.f32 v5, v36  }
0x5a: {  	v5 =	vld [tilespmem:s1+$0x0]  }
0x5b: {  	v2 =	vmul.f32 v2, v37;
	v3 =	vadd.f32 v4, v3  }
0x5c: {  	v4 =	vld [tilespmem:s4+$0x0]  }
0x5d: {  	v2 =	vadd.f32 v2, v3  }
0x5e: {  	s1 =	simm.s32 $0x10  }
0x5f: {  	v3 =	vmov s1;
	v2 =	vadd.f32 v2, v5  }
0x60: {  	v3 =	vshll.u32 v3, $0x7  }
0x61: {  	v3 =	vor.u32 v0, v3;
	v2 =	vadd.f32 v2, v4;
	_ =	sdelay $0x1  }
0x62: {  	v4 =	vor.u32 $0x1, v3;
	v2 =	vadd.f32 v2, v1;
	_ =	sdelay $0x1  }
0x63: {  	v5 =	vor.u32 $0x2, v3;
	[tilespmem:s30+$0x0] =	vst v2  }
0x64: {  	v2 =	vld.idx.msk [tilespmem:v3+s22+$0x0], $0xffff  }
0x65: {  	v7 =	vor.u32 $0x3, v3;
	v6 =	vld.idx.msk [tilespmem:v3+s5+$0x0], $0xffff  }
0x66: {  	v38 =	vld.idx.msk [tilespmem:v4+s5+$0x0], $0xffff  }
0x67: {  	v39 =	vor.u32 $0x4, v3;
	v4 =	vld.idx.msk [tilespmem:v4+s22+$0x0], $0xffff  }
0x68: {  	v40 =	vld.idx.msk [tilespmem:v5+s5+$0x0], $0xffff  }
0x69: {  	v41 =	vor.u32 $0x5, v3;
	v5 =	vld.idx.msk [tilespmem:v5+s22+$0x0], $0xffff  }
0x6a: {  	v42 =	vld.idx.msk [tilespmem:v7+s5+$0x0], $0xffff;
	v2 =	vmul.f32 v2, v6  }
0x6b: {  	v6 =	vld.idx.msk [tilespmem:v7+s22+$0x0], $0xffff;
	v7 =	vor.u32 $0x6, v3  }
0x6c: {  	v43 =	vld.idx.msk [tilespmem:v39+s5+$0x0], $0xffff;
	v4 =	vmul.f32 v4, v38;
	v2 =	vadd.f32 $0.0e+00, v2  }
0x6d: {  	v45 =	vor.u32 $0x7, v3;
	v44 =	vld.idx.msk [tilespmem:v39+s22+$0x0], $0xffff  }
0x6e: {  	v46 =	vld.idx.msk [tilespmem:v41+s5+$0x0], $0xffff;
	v2 =	vadd.f32 v4, v2;
	v4 =	vmul.f32 v5, v40  }
0x6f: {  	v47 =	vor.u32 $0x8, v3;
	v5 =	vld.idx.msk [tilespmem:v41+s22+$0x0], $0xffff  }
0x70: {  	v48 =	vld.idx.msk [tilespmem:v7+s5+$0x0], $0xffff;
	v2 =	vadd.f32 v4, v2;
	v4 =	vmul.f32 v6, v42  }
0x71: {  	v6 =	vld.idx.msk [tilespmem:v7+s22+$0x0], $0xffff;
	v7 =	vor.u32 $0x9, v3  }
0x72: {  	v49 =	vld.idx.msk [tilespmem:v45+s5+$0x0], $0xffff;
	v2 =	vadd.f32 v4, v2;
	v4 =	vmul.f32 v44, v43  }
0x73: {  	v51 =	vor.u32 $0xA, v3;
	v50 =	vld.idx.msk [tilespmem:v45+s22+$0x0], $0xffff  }
0x74: {  	v52 =	vld.idx.msk [tilespmem:v47+s5+$0x0], $0xffff;
	v2 =	vadd.f32 v4, v2;
	v4 =	vmul.f32 v5, v46  }
0x75: {  	v53 =	vor.u32 $0xB, v3;
	v5 =	vld.idx.msk [tilespmem:v47+s22+$0x0], $0xffff  }
0x76: {  	v54 =	vld.idx.msk [tilespmem:v7+s5+$0x0], $0xffff;
	v2 =	vadd.f32 v4, v2;
	v4 =	vmul.f32 v6, v48  }
0x77: {  	v6 =	vld.idx.msk [tilespmem:v7+s22+$0x0], $0xffff;
	v7 =	vor.u32 $0xC, v3  }
0x78: {  	v55 =	vld.idx.msk [tilespmem:v51+s5+$0x0], $0xffff;
	v2 =	vadd.f32 v4, v2;
	v4 =	vmul.f32 v50, v49  }
0x79: {  	v57 =	vor.u32 $0xD, v3;
	v56 =	vld.idx.msk [tilespmem:v51+s22+$0x0], $0xffff  }
0x7a: {  	v58 =	vld.idx.msk [tilespmem:v53+s5+$0x0], $0xffff;
	v2 =	vadd.f32 v4, v2;
	v4 =	vmul.f32 v5, v52  }
0x7b: {  	v59 =	vor.u32 $0xE, v3;
	v5 =	vld.idx.msk [tilespmem:v53+s22+$0x0], $0xffff  }
0x7c: {  	v60 =	vld.idx.msk [tilespmem:v7+s5+$0x0], $0xffff;
	v2 =	vadd.f32 v4, v2;
	v4 =	vmul.f32 v6, v54  }
0x7d: {  	v3 =	vor.u32 $0xF, v3;
	v6 =	vld.idx.msk [tilespmem:v7+s22+$0x0], $0xffff  }
0x7e: {  	v61 =	vld.idx.msk [tilespmem:v57+s22+$0x0], $0xffff;
	v2 =	vadd.f32 v4, v2;
	v4 =	vmul.f32 v56, v55  }
0x7f: {  	v7 =	vld.idx.msk [tilespmem:v57+s5+$0x0], $0xffff  }
0x80: {  	v62 =	vld.idx.msk [tilespmem:v59+s5+$0x0], $0xffff;
	v2 =	vadd.f32 v4, v2;
	v4 =	vmul.f32 v5, v58  }
0x81: {  	v5 =	vld.idx.msk [tilespmem:v59+s22+$0x0], $0xffff  }
0x82: {  	v63 =	vld.idx.msk [tilespmem:v3+s5+$0x0], $0xffff;
	v2 =	vadd.f32 v4, v2;
	v4 =	vmul.f32 v6, v60  }
0x83: {  	v3 =	vld.idx.msk [tilespmem:v3+s22+$0x0], $0xffff  }
0x84: {  	v2 =	vadd.f32 v4, v2;
	v4 =	vmul.f32 v61, v7;
	_ =	sdelay $0x1  }
0x85: {  	v2 =	vadd.f32 v4, v2;
	v4 =	vmul.f32 v5, v62  }
0x86: {  	s0 =	simm.s32 $0x10410  }
0x87: {  	v3 =	vmul.f32 v3, v63;
	v5 =	vld [tilespmem:s0+$0x0];
	v2 =	vadd.f32 v4, v2  }
0x88: {  	s4 =	simm.s32 $0x10610  }
0x89: {  	v3 =	vadd.f32 v3, v2;
	v2 =	vld [tilespmem:s4+$0x0];
	_ =	sdelay $0x1  }
0x8a: {  	s2 =	simm.s32 $0x20  }
0x8b: {  	v4 =	vmov s2;
	v3 =	vadd.f32 v3, v5  }
0x8c: {  	s1 =	simm.s32 $0x10880;
	s2 =	simm.s32 $0x30;
	v4 =	vshll.u32 v4, $0x7  }
.LBB2_2:
0x8d: {  	p0 =	sne.s32 s2, $0x70;
	v4 =	vor.u32 v0, v4;
	v2 =	vadd.f32 v3, v2;
	_ =	sdelay $0x1  }
0x8e: {  	v3 =	vor.u32 $0x1, v4;
	v2 =	vadd.f32 v2, v1  }
0x8f: {  	s1 =	sadd.s32 $0x10, s1  }
0x90: {  	v5 =	vor.u32 $0x2, v4;
	[tilespmem:s1+$0x0] =	vst v2  }
0x91: {  	v2 =	vld.idx.msk [tilespmem:v4+s22+$0x0], $0xffff  }
0x92: {  	v7 =	vor.u32 $0x3, v4;
	v6 =	vld.idx.msk [tilespmem:v4+s5+$0x0], $0xffff  }
0x93: {  	v8 =	vld.idx.msk [tilespmem:v3+s5+$0x0], $0xffff  }
0x94: {  	v9 =	vor.u32 $0x4, v4;
	v3 =	vld.idx.msk [tilespmem:v3+s22+$0x0], $0xffff  }
0x95: {  	v10 =	vld.idx.msk [tilespmem:v5+s5+$0x0], $0xffff  }
0x96: {  	v11 =	vor.u32 $0x5, v4;
	v5 =	vld.idx.msk [tilespmem:v5+s22+$0x0], $0xffff  }
0x97: {  	v12 =	vld.idx.msk [tilespmem:v7+s5+$0x0], $0xffff  }
0x98: {  	v2 =	vmul.f32 v2, v6;
	v6 =	vld.idx.msk [tilespmem:v7+s22+$0x0], $0xffff;
	v7 =	vor.u32 $0x6, v4  }
0x99: {  	v13 =	vld.idx.msk [tilespmem:v9+s5+$0x0], $0xffff  }
0x9a: {  	v2 =	vadd.f32 $0.0e+00, v2;
	v3 =	vmul.f32 v3, v8;
	v8 =	vld.idx.msk [tilespmem:v9+s22+$0x0], $0xffff;
	v9 =	vor.u32 $0x7, v4  }
0x9b: {  	v14 =	vld.idx.msk [tilespmem:v11+s5+$0x0], $0xffff  }
0x9c: {  	v2 =	vadd.f32 v3, v2;
	v3 =	vmul.f32 v5, v10;
	v10 =	vor.u32 $0x8, v4;
	v5 =	vld.idx.msk [tilespmem:v11+s22+$0x0], $0xffff  }
0x9d: {  	v11 =	vld.idx.msk [tilespmem:v7+s5+$0x0], $0xffff  }
0x9e: {  	v2 =	vadd.f32 v3, v2;
	v3 =	vmul.f32 v6, v12;
	v6 =	vld.idx.msk [tilespmem:v7+s22+$0x0], $0xffff;
	v7 =	vor.u32 $0x9, v4  }
0x9f: {  	v12 =	vld.idx.msk [tilespmem:v9+s5+$0x0], $0xffff  }
0xa0: {  	v2 =	vadd.f32 v3, v2;
	v3 =	vmul.f32 v8, v13;
	v8 =	vld.idx.msk [tilespmem:v9+s22+$0x0], $0xffff;
	v9 =	vor.u32 $0xA, v4  }
0xa1: {  	v13 =	vld.idx.msk [tilespmem:v10+s5+$0x0], $0xffff  }
0xa2: {  	v2 =	vadd.f32 v3, v2;
	v3 =	vmul.f32 v5, v14;
	v5 =	vld.idx.msk [tilespmem:v10+s22+$0x0], $0xffff;
	v10 =	vor.u32 $0xB, v4  }
0xa3: {  	v14 =	vld.idx.msk [tilespmem:v7+s5+$0x0], $0xffff  }
0xa4: {  	v2 =	vadd.f32 v3, v2;
	v3 =	vmul.f32 v6, v11;
	v6 =	vld.idx.msk [tilespmem:v7+s22+$0x0], $0xffff;
	v7 =	vor.u32 $0xC, v4  }
0xa5: {  	v11 =	vld.idx.msk [tilespmem:v9+s5+$0x0], $0xffff  }
0xa6: {  	v2 =	vadd.f32 v3, v2;
	v3 =	vmul.f32 v8, v12;
	v8 =	vld.idx.msk [tilespmem:v9+s22+$0x0], $0xffff;
	v9 =	vor.u32 $0xD, v4  }
0xa7: {  	v12 =	vld.idx.msk [tilespmem:v10+s5+$0x0], $0xffff  }
0xa8: {  	v2 =	vadd.f32 v3, v2;
	v3 =	vmul.f32 v5, v13;
	v5 =	vld.idx.msk [tilespmem:v10+s22+$0x0], $0xffff;
	v10 =	vor.u32 $0xE, v4  }
0xa9: {  	v13 =	vld.idx.msk [tilespmem:v7+s5+$0x0], $0xffff  }
0xaa: {  	v4 =	vor.u32 $0xF, v4;
	v2 =	vadd.f32 v3, v2;
	v3 =	vmul.f32 v6, v14;
	v6 =	vld.idx.msk [tilespmem:v7+s22+$0x0], $0xffff  }
0xab: {  	v7 =	vld.idx.msk [tilespmem:v9+s5+$0x0], $0xffff  }
0xac: {  	v2 =	vadd.f32 v3, v2;
	v3 =	vmul.f32 v8, v11;
	v8 =	vld.idx.msk [tilespmem:v9+s22+$0x0], $0xffff  }
0xad: {  	v9 =	vld.idx.msk [tilespmem:v10+s5+$0x0], $0xffff  }
0xae: {  	v2 =	vadd.f32 v3, v2;
	v3 =	vmul.f32 v5, v12;
	v5 =	vld.idx.msk [tilespmem:v10+s22+$0x0], $0xffff  }
0xaf: {  	v10 =	vld.idx.msk [tilespmem:v4+s5+$0x0], $0xffff  }
0xb0: {  	v2 =	vadd.f32 v3, v2;
	v3 =	vmul.f32 v6, v13;
	v4 =	vld.idx.msk [tilespmem:v4+s22+$0x0], $0xffff;
	_ =	sdelay $0x1  }
0xb1: {  	v2 =	vadd.f32 v3, v2;
	v3 =	vmul.f32 v8, v7;
	_ =	sdelay $0x1  }
0xb2: {  	s0 =	sadd.s32 $0x10, s0;
	v2 =	vadd.f32 v3, v2;
	v3 =	vmul.f32 v5, v9  }
0xb3: {  	v5 =	vld [tilespmem:s0+$0x0]  }
0xb4: {  	s4 =	sadd.s32 $0x10, s4;
	v3 =	vadd.f32 v3, v2;
	v4 =	vmul.f32 v4, v10  }
.Ltmp0:
0xb5: {  	v2 =	vld [tilespmem:s4+$0x0];
	(pc) =	sbr.rel @p0 .LBB2_2-.Ltmp0, $3  }
0xb6: {  	v3 =	vadd.f32 v4, v3;
	_ =	sdelay $0x1  }
0xb7: {  	v4 =	vmov s2;
	v3 =	vadd.f32 v3, v5  }
0xb8: {  	s2 =	sadd.s32 $0x10, s2;
	v4 =	vshll.u32 v4, $0x7  }
0xb9: {  	v4 =	vor.u32 v0, v4;
	v2 =	vadd.f32 v3, v2;
	_ =	sdelay $0x1  }
0xba: {  	v3 =	vor.u32 $0x1, v4;
	v2 =	vadd.f32 v2, v1  }
0xbb: {  	s1 =	sadd.s32 $0x10, s1  }
0xbc: {  	v5 =	vor.u32 $0x2, v4;
	[tilespmem:s1+$0x0] =	vst v2  }
0xbd: {  	v2 =	vld.idx.msk [tilespmem:v4+s22+$0x0], $0xffff  }
0xbe: {  	v7 =	vor.u32 $0x3, v4;
	v6 =	vld.idx.msk [tilespmem:v4+s5+$0x0], $0xffff  }
0xbf: {  	v8 =	vld.idx.msk [tilespmem:v3+s5+$0x0], $0xffff  }
0xc0: {  	v9 =	vor.u32 $0x4, v4;
	v3 =	vld.idx.msk [tilespmem:v3+s22+$0x0], $0xffff  }
0xc1: {  	v10 =	vld.idx.msk [tilespmem:v5+s5+$0x0], $0xffff  }
0xc2: {  	v11 =	vor.u32 $0x5, v4;
	v5 =	vld.idx.msk [tilespmem:v5+s22+$0x0], $0xffff  }
0xc3: {  	v12 =	vld.idx.msk [tilespmem:v7+s5+$0x0], $0xffff;
	v2 =	vmul.f32 v2, v6  }
0xc4: {  	v6 =	vld.idx.msk [tilespmem:v7+s22+$0x0], $0xffff;
	v7 =	vor.u32 $0x6, v4  }
0xc5: {  	v13 =	vld.idx.msk [tilespmem:v9+s5+$0x0], $0xffff;
	v3 =	vmul.f32 v3, v8;
	v2 =	vadd.f32 $0.0e+00, v2  }
0xc6: {  	v42 =	vor.u32 $0x7, v4;
	v41 =	vld.idx.msk [tilespmem:v9+s22+$0x0], $0xffff  }
0xc7: {  	v14 =	vld.idx.msk [tilespmem:v11+s5+$0x0], $0xffff;
	v2 =	vadd.f32 v3, v2;
	v3 =	vmul.f32 v5, v10  }
0xc8: {  	v43 =	vor.u32 $0x8, v4;
	v5 =	vld.idx.msk [tilespmem:v11+s22+$0x0], $0xffff  }
0xc9: {  	v44 =	vld.idx.msk [tilespmem:v7+s5+$0x0], $0xffff;
	v2 =	vadd.f32 v3, v2;
	v3 =	vmul.f32 v6, v12  }
0xca: {  	v6 =	vld.idx.msk [tilespmem:v7+s22+$0x0], $0xffff;
	v7 =	vor.u32 $0x9, v4  }
0xcb: {  	v45 =	vld.idx.msk [tilespmem:v42+s5+$0x0], $0xffff;
	v2 =	vadd.f32 v3, v2;
	v3 =	vmul.f32 v41, v13  }
0xcc: {  	v47 =	vor.u32 $0xA, v4;
	v46 =	vld.idx.msk [tilespmem:v42+s22+$0x0], $0xffff  }
0xcd: {  	v48 =	vld.idx.msk [tilespmem:v43+s5+$0x0], $0xffff;
	v2 =	vadd.f32 v3, v2;
	v3 =	vmul.f32 v5, v14  }
0xce: {  	v49 =	vor.u32 $0xB, v4;
	v5 =	vld.idx.msk [tilespmem:v43+s22+$0x0], $0xffff  }
0xcf: {  	v50 =	vld.idx.msk [tilespmem:v7+s5+$0x0], $0xffff;
	v2 =	vadd.f32 v3, v2;
	v3 =	vmul.f32 v6, v44  }
0xd0: {  	v6 =	vld.idx.msk [tilespmem:v7+s22+$0x0], $0xffff;
	v7 =	vor.u32 $0xC, v4  }
0xd1: {  	v51 =	vld.idx.msk [tilespmem:v47+s5+$0x0], $0xffff;
	v2 =	vadd.f32 v3, v2;
	v3 =	vmul.f32 v46, v45  }
0xd2: {  	v53 =	vor.u32 $0xD, v4;
	v52 =	vld.idx.msk [tilespmem:v47+s22+$0x0], $0xffff  }
0xd3: {  	v54 =	vld.idx.msk [tilespmem:v49+s5+$0x0], $0xffff;
	v2 =	vadd.f32 v3, v2;
	v3 =	vmul.f32 v5, v48  }
0xd4: {  	v55 =	vor.u32 $0xE, v4;
	v5 =	vld.idx.msk [tilespmem:v49+s22+$0x0], $0xffff  }
0xd5: {  	v56 =	vld.idx.msk [tilespmem:v7+s5+$0x0], $0xffff;
	v2 =	vadd.f32 v3, v2;
	v3 =	vmul.f32 v6, v50  }
0xd6: {  	v4 =	vor.u32 $0xF, v4;
	v6 =	vld.idx.msk [tilespmem:v7+s22+$0x0], $0xffff  }
0xd7: {  	v57 =	vld.idx.msk [tilespmem:v53+s22+$0x0], $0xffff;
	v2 =	vadd.f32 v3, v2;
	v3 =	vmul.f32 v52, v51  }
0xd8: {  	v7 =	vld.idx.msk [tilespmem:v53+s5+$0x0], $0xffff  }
0xd9: {  	v58 =	vld.idx.msk [tilespmem:v55+s5+$0x0], $0xffff;
	v2 =	vadd.f32 v3, v2;
	v3 =	vmul.f32 v5, v54  }
0xda: {  	v5 =	vld.idx.msk [tilespmem:v55+s22+$0x0], $0xffff  }
0xdb: {  	v59 =	vld.idx.msk [tilespmem:v4+s5+$0x0], $0xffff;
	v2 =	vadd.f32 v3, v2;
	v3 =	vmul.f32 v6, v56  }
0xdc: {  	v4 =	vld.idx.msk [tilespmem:v4+s22+$0x0], $0xffff  }
0xdd: {  	v2 =	vadd.f32 v3, v2;
	v3 =	vmul.f32 v57, v7;
	_ =	sdelay $0x1  }
0xde: {  	s0 =	sadd.s32 $0x10, s0;
	v2 =	vadd.f32 v3, v2;
	v3 =	vmul.f32 v5, v58  }
0xdf: {  	v5 =	vld [tilespmem:s0+$0x0]  }
0xe0: {  	s4 =	sadd.s32 $0x10, s4;
	v2 =	vadd.f32 v3, v2;
	v3 =	vmul.f32 v4, v59  }
0xe1: {  	v4 =	vld [tilespmem:s4+$0x0]  }
0xe2: {  	v2 =	vadd.f32 v3, v2;
	_ =	sdelay $0x1  }
0xe3: {  	v2 =	vadd.f32 v2, v5;
	_ =	sdelay $0x1  }
0xe4: {  	v2 =	vadd.f32 v2, v4;
	_ =	sdelay $0x1  }
0xe5: {  	v2 =	vadd.f32 v2, v1  }
0xe6: {  	s2 =	sadd.s32 $0x10, s1  }
0xe7: {  	s4 =	simm.s32 $0x0;
	[tilespmem:s2+$0x0] =	vst v2  }
0xe8: {  	[tilespmem:s4], [sflag:$0x2] =	stream.linear.gather [hbm4b:s12+s4], $0x4000, $0x38;
	[tilespmem:$0x10A80] =	vst v63  }
0xe9: {  	_ = 	snop  }
0xea: {  	v2 =	vmov s4;
	[tilespmem:s22], [sflag:$0x2] =	stream.linear.gather [hbm4b:s13+s4], $0x4000, $0x38;
	[tilespmem:$0x10A80] =	vst v63  }
0xeb: {  	v2 =	vshll.u32 v2, $0x7;
	_ =	swait.ge [sflag:s29], $0x4000  }
0xec: {  	v2 =	vor.u32 v0, v2;
	[sflag:s29] =	ssyncset.done $0x0  }
0xed: {  	[sflag:s29] =	ssyncadd.s32 $0xFFFFC000  }
0xee: {  	v3 =	vor.u32 $0x1, v2;
	_ =	swait.ge [sflag:s29], $0x4000  }
0xef: {  	[sflag:s29] =	ssyncset.done $0x0  }
0xf0: {  	v4 =	vor.u32 $0x2, v2;
	[sflag:s29] =	ssyncadd.s32 $0xFFFFC000  }
0xf1: {  	v5 =	vld.idx.msk [tilespmem:v2+s26+$0x0], $0xffff  }
0xf2: {  	v7 =	vor.u32 $0x3, v2;
	v6 =	vld.idx.msk [tilespmem:v2+s25+$0x0], $0xffff  }
0xf3: {  	v60 =	vld.idx.msk [tilespmem:v3+s25+$0x0], $0xffff  }
0xf4: {  	v61 =	vor.u32 $0x4, v2;
	v3 =	vld.idx.msk [tilespmem:v3+s26+$0x0], $0xffff  }
0xf5: {  	v62 =	vld.idx.msk [tilespmem:v4+s25+$0x0], $0xffff  }
0xf6: {  	v63 =	vor.u32 $0x5, v2;
	v4 =	vld.idx.msk [tilespmem:v4+s26+$0x0], $0xffff  }
0xf7: {  	v16 =	vld.idx.msk [tilespmem:v7+s25+$0x0], $0xffff;
	v5 =	vmul.f32 v5, v6  }
0xf8: {  	v6 =	vld.idx.msk [tilespmem:v7+s26+$0x0], $0xffff;
	v7 =	vor.u32 $0x6, v2  }
0xf9: {  	v17 =	vld.idx.msk [tilespmem:v61+s25+$0x0], $0xffff;
	v3 =	vmul.f32 v3, v60;
	v5 =	vadd.f32 $0.0e+00, v5  }
0xfa: {  	v19 =	vor.u32 $0x7, v2;
	v18 =	vld.idx.msk [tilespmem:v61+s26+$0x0], $0xffff  }
0xfb: {  	v20 =	vld.idx.msk [tilespmem:v63+s25+$0x0], $0xffff;
	v4 =	vmul.f32 v4, v62;
	v3 =	vadd.f32 v3, v5  }
0xfc: {  	v21 =	vor.u32 $0x8, v2;
	v5 =	vld.idx.msk [tilespmem:v63+s26+$0x0], $0xffff  }
0xfd: {  	v22 =	vld.idx.msk [tilespmem:v7+s25+$0x0], $0xffff;
	v3 =	vadd.f32 v4, v3;
	v4 =	vmul.f32 v6, v16  }
0xfe: {  	v6 =	vld.idx.msk [tilespmem:v7+s26+$0x0], $0xffff;
	v7 =	vor.u32 $0x9, v2  }
0xff: {  	v23 =	vld.idx.msk [tilespmem:v19+s25+$0x0], $0xffff;
	v3 =	vadd.f32 v4, v3;
	v4 =	vmul.f32 v18, v17  }
0x100: {  	v25 =	vor.u32 $0xA, v2;
	v24 =	vld.idx.msk [tilespmem:v19+s26+$0x0], $0xffff  }
0x101: {  	v26 =	vld.idx.msk [tilespmem:v21+s25+$0x0], $0xffff;
	v3 =	vadd.f32 v4, v3;
	v4 =	vmul.f32 v5, v20  }
0x102: {  	v27 =	vor.u32 $0xB, v2;
	v5 =	vld.idx.msk [tilespmem:v21+s26+$0x0], $0xffff  }
0x103: {  	v28 =	vld.idx.msk [tilespmem:v7+s25+$0x0], $0xffff;
	v3 =	vadd.f32 v4, v3;
	v4 =	vmul.f32 v6, v22  }
0x104: {  	v6 =	vld.idx.msk [tilespmem:v7+s26+$0x0], $0xffff;
	v7 =	vor.u32 $0xC, v2  }
0x105: {  	v29 =	vld.idx.msk [tilespmem:v25+s25+$0x0], $0xffff;
	v3 =	vadd.f32 v4, v3;
	v4 =	vmul.f32 v24, v23  }
0x106: {  	v31 =	vor.u32 $0xD, v2;
	v30 =	vld.idx.msk [tilespmem:v25+s26+$0x0], $0xffff  }
0x107: {  	v32 =	vld.idx.msk [tilespmem:v27+s25+$0x0], $0xffff;
	v3 =	vadd.f32 v4, v3;
	v4 =	vmul.f32 v5, v26  }
0x108: {  	v33 =	vor.u32 $0xE, v2;
	v5 =	vld.idx.msk [tilespmem:v27+s26+$0x0], $0xffff  }
0x109: {  	v34 =	vld.idx.msk [tilespmem:v7+s25+$0x0], $0xffff;
	v3 =	vadd.f32 v4, v3;
	v4 =	vmul.f32 v6, v28  }
0x10a: {  	v2 =	vor.u32 $0xF, v2;
	v6 =	vld.idx.msk [tilespmem:v7+s26+$0x0], $0xffff  }
0x10b: {  	v35 =	vld.idx.msk [tilespmem:v31+s26+$0x0], $0xffff;
	v3 =	vadd.f32 v4, v3;
	v4 =	vmul.f32 v30, v29  }
0x10c: {  	v7 =	vld.idx.msk [tilespmem:v31+s25+$0x0], $0xffff  }
0x10d: {  	v36 =	vld.idx.msk [tilespmem:v33+s25+$0x0], $0xffff;
	v3 =	vadd.f32 v4, v3;
	v4 =	vmul.f32 v5, v32  }
0x10e: {  	v5 =	vld.idx.msk [tilespmem:v33+s26+$0x0], $0xffff  }
0x10f: {  	v37 =	vld.idx.msk [tilespmem:v2+s25+$0x0], $0xffff;
	v3 =	vadd.f32 v4, v3;
	v4 =	vmul.f32 v6, v34  }
0x110: {  	v2 =	vld.idx.msk [tilespmem:v2+s26+$0x0], $0xffff  }
0x111: {  	v3 =	vadd.f32 v4, v3;
	v4 =	vmul.f32 v35, v7;
	_ =	sdelay $0x1  }
0x112: {  	s1 =	simm.s32 $0x10480;
	v3 =	vadd.f32 v4, v3;
	v4 =	vmul.f32 v5, v36  }
0x113: {  	v5 =	vld [tilespmem:s1+$0x0]  }
0x114: {  	s2 =	simm.s32 $0x10680;
	v2 =	vmul.f32 v2, v37;
	v3 =	vadd.f32 v4, v3  }
0x115: {  	v4 =	vld [tilespmem:s2+$0x0]  }
0x116: {  	v2 =	vadd.f32 v2, v3  }
0x117: {  	s4 =	simm.s32 $0x10  }
0x118: {  	v3 =	vmov s4;
	v2 =	vadd.f32 v2, v5  }
0x119: {  	v3 =	vshll.u32 v3, $0x7  }
0x11a: {  	v3 =	vor.u32 v0, v3;
	v2 =	vadd.f32 v2, v4;
	_ =	sdelay $0x1  }
0x11b: {  	v4 =	vor.u32 $0x1, v3;
	v2 =	vadd.f32 v2, v1  }
0x11c: {  	s0 =	simm.s32 $0x10900  }
0x11d: {  	v5 =	vor.u32 $0x2, v3;
	[tilespmem:s0+$0x0] =	vst v2  }
0x11e: {  	v2 =	vld.idx.msk [tilespmem:v3+s26+$0x0], $0xffff  }
0x11f: {  	v7 =	vor.u32 $0x3, v3;
	v6 =	vld.idx.msk [tilespmem:v3+s25+$0x0], $0xffff  }
0x120: {  	v38 =	vld.idx.msk [tilespmem:v4+s25+$0x0], $0xffff  }
0x121: {  	v39 =	vor.u32 $0x4, v3;
	v4 =	vld.idx.msk [tilespmem:v4+s26+$0x0], $0xffff  }
0x122: {  	v40 =	vld.idx.msk [tilespmem:v5+s25+$0x0], $0xffff  }
0x123: {  	v41 =	vor.u32 $0x5, v3;
	v5 =	vld.idx.msk [tilespmem:v5+s26+$0x0], $0xffff  }
0x124: {  	v42 =	vld.idx.msk [tilespmem:v7+s25+$0x0], $0xffff;
	v2 =	vmul.f32 v2, v6  }
0x125: {  	v6 =	vld.idx.msk [tilespmem:v7+s26+$0x0], $0xffff;
	v7 =	vor.u32 $0x6, v3  }
0x126: {  	v43 =	vld.idx.msk [tilespmem:v39+s25+$0x0], $0xffff;
	v4 =	vmul.f32 v4, v38;
	v2 =	vadd.f32 $0.0e+00, v2  }
0x127: {  	v45 =	vor.u32 $0x7, v3;
	v44 =	vld.idx.msk [tilespmem:v39+s26+$0x0], $0xffff  }
0x128: {  	v46 =	vld.idx.msk [tilespmem:v41+s25+$0x0], $0xffff;
	v2 =	vadd.f32 v4, v2;
	v4 =	vmul.f32 v5, v40  }
0x129: {  	v47 =	vor.u32 $0x8, v3;
	v5 =	vld.idx.msk [tilespmem:v41+s26+$0x0], $0xffff  }
0x12a: {  	v48 =	vld.idx.msk [tilespmem:v7+s25+$0x0], $0xffff;
	v2 =	vadd.f32 v4, v2;
	v4 =	vmul.f32 v6, v42  }
0x12b: {  	v6 =	vld.idx.msk [tilespmem:v7+s26+$0x0], $0xffff;
	v7 =	vor.u32 $0x9, v3  }
0x12c: {  	v49 =	vld.idx.msk [tilespmem:v45+s25+$0x0], $0xffff;
	v2 =	vadd.f32 v4, v2;
	v4 =	vmul.f32 v44, v43  }
0x12d: {  	v51 =	vor.u32 $0xA, v3;
	v50 =	vld.idx.msk [tilespmem:v45+s26+$0x0], $0xffff  }
0x12e: {  	v52 =	vld.idx.msk [tilespmem:v47+s25+$0x0], $0xffff;
	v2 =	vadd.f32 v4, v2;
	v4 =	vmul.f32 v5, v46  }
0x12f: {  	v53 =	vor.u32 $0xB, v3;
	v5 =	vld.idx.msk [tilespmem:v47+s26+$0x0], $0xffff  }
0x130: {  	v54 =	vld.idx.msk [tilespmem:v7+s25+$0x0], $0xffff;
	v2 =	vadd.f32 v4, v2;
	v4 =	vmul.f32 v6, v48  }
0x131: {  	v6 =	vld.idx.msk [tilespmem:v7+s26+$0x0], $0xffff;
	v7 =	vor.u32 $0xC, v3  }
0x132: {  	v55 =	vld.idx.msk [tilespmem:v51+s25+$0x0], $0xffff;
	v2 =	vadd.f32 v4, v2;
	v4 =	vmul.f32 v50, v49  }
0x133: {  	v57 =	vor.u32 $0xD, v3;
	v56 =	vld.idx.msk [tilespmem:v51+s26+$0x0], $0xffff  }
0x134: {  	v58 =	vld.idx.msk [tilespmem:v53+s25+$0x0], $0xffff;
	v2 =	vadd.f32 v4, v2;
	v4 =	vmul.f32 v5, v52  }
0x135: {  	v59 =	vor.u32 $0xE, v3;
	v5 =	vld.idx.msk [tilespmem:v53+s26+$0x0], $0xffff  }
0x136: {  	v60 =	vld.idx.msk [tilespmem:v7+s25+$0x0], $0xffff;
	v2 =	vadd.f32 v4, v2;
	v4 =	vmul.f32 v6, v54  }
0x137: {  	v3 =	vor.u32 $0xF, v3;
	v6 =	vld.idx.msk [tilespmem:v7+s26+$0x0], $0xffff  }
0x138: {  	v61 =	vld.idx.msk [tilespmem:v57+s26+$0x0], $0xffff;
	v2 =	vadd.f32 v4, v2;
	v4 =	vmul.f32 v56, v55  }
0x139: {  	v7 =	vld.idx.msk [tilespmem:v57+s25+$0x0], $0xffff  }
0x13a: {  	v62 =	vld.idx.msk [tilespmem:v59+s25+$0x0], $0xffff;
	v2 =	vadd.f32 v4, v2;
	v4 =	vmul.f32 v5, v58  }
0x13b: {  	v5 =	vld.idx.msk [tilespmem:v59+s26+$0x0], $0xffff  }
0x13c: {  	v63 =	vld.idx.msk [tilespmem:v3+s25+$0x0], $0xffff;
	v2 =	vadd.f32 v4, v2;
	v4 =	vmul.f32 v6, v60  }
0x13d: {  	v3 =	vld.idx.msk [tilespmem:v3+s26+$0x0], $0xffff  }
0x13e: {  	v2 =	vadd.f32 v4, v2;
	v4 =	vmul.f32 v61, v7;
	_ =	sdelay $0x1  }
0x13f: {  	v2 =	vadd.f32 v4, v2;
	v4 =	vmul.f32 v5, v62  }
0x140: {  	s4 =	simm.s32 $0x10490  }
0x141: {  	v3 =	vmul.f32 v3, v63;
	v5 =	vld [tilespmem:s4+$0x0];
	v2 =	vadd.f32 v4, v2  }
0x142: {  	s1 =	simm.s32 $0x10690  }
0x143: {  	v3 =	vadd.f32 v3, v2;
	v2 =	vld [tilespmem:s1+$0x0];
	_ =	sdelay $0x1  }
0x144: {  	s2 =	simm.s32 $0x20  }
0x145: {  	v4 =	vmov s2;
	v3 =	vadd.f32 v3, v5  }
0x146: {  	s2 =	simm.s32 $0x30;
	v4 =	vshll.u32 v4, $0x7  }
.LBB2_4:
0x147: {  	p0 =	sne.s32 s2, $0x70;
	v4 =	vor.u32 v0, v4;
	v2 =	vadd.f32 v3, v2;
	_ =	sdelay $0x1  }
0x148: {  	v3 =	vor.u32 $0x1, v4;
	v2 =	vadd.f32 v2, v1  }
0x149: {  	s0 =	sadd.s32 $0x10, s0  }
0x14a: {  	v5 =	vor.u32 $0x2, v4;
	[tilespmem:s0+$0x0] =	vst v2  }
0x14b: {  	v2 =	vld.idx.msk [tilespmem:v4+s26+$0x0], $0xffff  }
0x14c: {  	v7 =	vor.u32 $0x3, v4;
	v6 =	vld.idx.msk [tilespmem:v4+s25+$0x0], $0xffff  }
0x14d: {  	v8 =	vld.idx.msk [tilespmem:v3+s25+$0x0], $0xffff  }
0x14e: {  	v9 =	vor.u32 $0x4, v4;
	v3 =	vld.idx.msk [tilespmem:v3+s26+$0x0], $0xffff  }
0x14f: {  	v10 =	vld.idx.msk [tilespmem:v5+s25+$0x0], $0xffff  }
0x150: {  	v11 =	vor.u32 $0x5, v4;
	v5 =	vld.idx.msk [tilespmem:v5+s26+$0x0], $0xffff  }
0x151: {  	v12 =	vld.idx.msk [tilespmem:v7+s25+$0x0], $0xffff  }
0x152: {  	v2 =	vmul.f32 v2, v6;
	v6 =	vld.idx.msk [tilespmem:v7+s26+$0x0], $0xffff;
	v7 =	vor.u32 $0x6, v4  }
0x153: {  	v13 =	vld.idx.msk [tilespmem:v9+s25+$0x0], $0xffff  }
0x154: {  	v2 =	vadd.f32 $0.0e+00, v2;
	v3 =	vmul.f32 v3, v8;
	v8 =	vld.idx.msk [tilespmem:v9+s26+$0x0], $0xffff;
	v9 =	vor.u32 $0x7, v4  }
0x155: {  	v14 =	vld.idx.msk [tilespmem:v11+s25+$0x0], $0xffff  }
0x156: {  	v2 =	vadd.f32 v3, v2;
	v3 =	vmul.f32 v5, v10;
	v10 =	vor.u32 $0x8, v4;
	v5 =	vld.idx.msk [tilespmem:v11+s26+$0x0], $0xffff  }
0x157: {  	v11 =	vld.idx.msk [tilespmem:v7+s25+$0x0], $0xffff  }
0x158: {  	v2 =	vadd.f32 v3, v2;
	v3 =	vmul.f32 v6, v12;
	v6 =	vld.idx.msk [tilespmem:v7+s26+$0x0], $0xffff;
	v7 =	vor.u32 $0x9, v4  }
0x159: {  	v12 =	vld.idx.msk [tilespmem:v9+s25+$0x0], $0xffff  }
0x15a: {  	v2 =	vadd.f32 v3, v2;
	v3 =	vmul.f32 v8, v13;
	v8 =	vld.idx.msk [tilespmem:v9+s26+$0x0], $0xffff;
	v9 =	vor.u32 $0xA, v4  }
0x15b: {  	v13 =	vld.idx.msk [tilespmem:v10+s25+$0x0], $0xffff  }
0x15c: {  	v2 =	vadd.f32 v3, v2;
	v3 =	vmul.f32 v5, v14;
	v5 =	vld.idx.msk [tilespmem:v10+s26+$0x0], $0xffff;
	v10 =	vor.u32 $0xB, v4  }
0x15d: {  	v14 =	vld.idx.msk [tilespmem:v7+s25+$0x0], $0xffff  }
0x15e: {  	v2 =	vadd.f32 v3, v2;
	v3 =	vmul.f32 v6, v11;
	v6 =	vld.idx.msk [tilespmem:v7+s26+$0x0], $0xffff;
	v7 =	vor.u32 $0xC, v4  }
0x15f: {  	v11 =	vld.idx.msk [tilespmem:v9+s25+$0x0], $0xffff  }
0x160: {  	v2 =	vadd.f32 v3, v2;
	v3 =	vmul.f32 v8, v12;
	v8 =	vld.idx.msk [tilespmem:v9+s26+$0x0], $0xffff;
	v9 =	vor.u32 $0xD, v4  }
0x161: {  	v12 =	vld.idx.msk [tilespmem:v10+s25+$0x0], $0xffff  }
0x162: {  	v2 =	vadd.f32 v3, v2;
	v3 =	vmul.f32 v5, v13;
	v5 =	vld.idx.msk [tilespmem:v10+s26+$0x0], $0xffff;
	v10 =	vor.u32 $0xE, v4  }
0x163: {  	v13 =	vld.idx.msk [tilespmem:v7+s25+$0x0], $0xffff  }
0x164: {  	v4 =	vor.u32 $0xF, v4;
	v2 =	vadd.f32 v3, v2;
	v3 =	vmul.f32 v6, v14;
	v6 =	vld.idx.msk [tilespmem:v7+s26+$0x0], $0xffff  }
0x165: {  	v7 =	vld.idx.msk [tilespmem:v9+s25+$0x0], $0xffff  }
0x166: {  	v2 =	vadd.f32 v3, v2;
	v3 =	vmul.f32 v8, v11;
	v8 =	vld.idx.msk [tilespmem:v9+s26+$0x0], $0xffff  }
0x167: {  	v9 =	vld.idx.msk [tilespmem:v10+s25+$0x0], $0xffff  }
0x168: {  	v2 =	vadd.f32 v3, v2;
	v3 =	vmul.f32 v5, v12;
	v5 =	vld.idx.msk [tilespmem:v10+s26+$0x0], $0xffff  }
0x169: {  	v10 =	vld.idx.msk [tilespmem:v4+s25+$0x0], $0xffff  }
0x16a: {  	v2 =	vadd.f32 v3, v2;
	v3 =	vmul.f32 v6, v13;
	v4 =	vld.idx.msk [tilespmem:v4+s26+$0x0], $0xffff;
	_ =	sdelay $0x1  }
0x16b: {  	v2 =	vadd.f32 v3, v2;
	v3 =	vmul.f32 v8, v7;
	_ =	sdelay $0x1  }
0x16c: {  	s4 =	sadd.s32 $0x10, s4;
	v2 =	vadd.f32 v3, v2;
	v3 =	vmul.f32 v5, v9  }
0x16d: {  	v5 =	vld [tilespmem:s4+$0x0]  }
0x16e: {  	s1 =	sadd.s32 $0x10, s1;
	v3 =	vadd.f32 v3, v2;
	v4 =	vmul.f32 v4, v10  }
.Ltmp1:
0x16f: {  	v2 =	vld [tilespmem:s1+$0x0];
	(pc) =	sbr.rel @p0 .LBB2_4-.Ltmp1, $3  }
0x170: {  	v3 =	vadd.f32 v4, v3;
	_ =	sdelay $0x1  }
0x171: {  	v4 =	vmov s2;
	v3 =	vadd.f32 v3, v5  }
0x172: {  	s2 =	sadd.s32 $0x10, s2;
	v4 =	vshll.u32 v4, $0x7  }
0x173: {  	v4 =	vor.u32 v0, v4;
	v2 =	vadd.f32 v3, v2;
	_ =	sdelay $0x1  }
0x174: {  	v3 =	vor.u32 $0x1, v4;
	v2 =	vadd.f32 v2, v1  }
0x175: {  	s0 =	sadd.s32 $0x10, s0  }
0x176: {  	v5 =	vor.u32 $0x2, v4;
	[tilespmem:s0+$0x0] =	vst v2  }
0x177: {  	v2 =	vld.idx.msk [tilespmem:v4+s26+$0x0], $0xffff  }
0x178: {  	v7 =	vor.u32 $0x3, v4;
	v6 =	vld.idx.msk [tilespmem:v4+s25+$0x0], $0xffff  }
0x179: {  	v8 =	vld.idx.msk [tilespmem:v3+s25+$0x0], $0xffff  }
0x17a: {  	v9 =	vor.u32 $0x4, v4;
	v3 =	vld.idx.msk [tilespmem:v3+s26+$0x0], $0xffff  }
0x17b: {  	v10 =	vld.idx.msk [tilespmem:v5+s25+$0x0], $0xffff  }
0x17c: {  	v11 =	vor.u32 $0x5, v4;
	v5 =	vld.idx.msk [tilespmem:v5+s26+$0x0], $0xffff  }
0x17d: {  	v12 =	vld.idx.msk [tilespmem:v7+s25+$0x0], $0xffff;
	v2 =	vmul.f32 v2, v6  }
0x17e: {  	v6 =	vld.idx.msk [tilespmem:v7+s26+$0x0], $0xffff;
	v7 =	vor.u32 $0x6, v4  }
0x17f: {  	v13 =	vld.idx.msk [tilespmem:v9+s25+$0x0], $0xffff;
	v3 =	vmul.f32 v3, v8;
	v2 =	vadd.f32 $0.0e+00, v2  }
0x180: {  	v42 =	vor.u32 $0x7, v4;
	v41 =	vld.idx.msk [tilespmem:v9+s26+$0x0], $0xffff  }
0x181: {  	v14 =	vld.idx.msk [tilespmem:v11+s25+$0x0], $0xffff;
	v2 =	vadd.f32 v3, v2;
	v3 =	vmul.f32 v5, v10  }
0x182: {  	v43 =	vor.u32 $0x8, v4;
	v5 =	vld.idx.msk [tilespmem:v11+s26+$0x0], $0xffff  }
0x183: {  	v44 =	vld.idx.msk [tilespmem:v7+s25+$0x0], $0xffff;
	v2 =	vadd.f32 v3, v2;
	v3 =	vmul.f32 v6, v12  }
0x184: {  	v6 =	vld.idx.msk [tilespmem:v7+s26+$0x0], $0xffff;
	v7 =	vor.u32 $0x9, v4  }
0x185: {  	v45 =	vld.idx.msk [tilespmem:v42+s25+$0x0], $0xffff;
	v2 =	vadd.f32 v3, v2;
	v3 =	vmul.f32 v41, v13  }
0x186: {  	v47 =	vor.u32 $0xA, v4;
	v46 =	vld.idx.msk [tilespmem:v42+s26+$0x0], $0xffff  }
0x187: {  	v48 =	vld.idx.msk [tilespmem:v43+s25+$0x0], $0xffff;
	v2 =	vadd.f32 v3, v2;
	v3 =	vmul.f32 v5, v14  }
0x188: {  	v49 =	vor.u32 $0xB, v4;
	v5 =	vld.idx.msk [tilespmem:v43+s26+$0x0], $0xffff  }
0x189: {  	v50 =	vld.idx.msk [tilespmem:v7+s25+$0x0], $0xffff;
	v2 =	vadd.f32 v3, v2;
	v3 =	vmul.f32 v6, v44  }
0x18a: {  	v6 =	vld.idx.msk [tilespmem:v7+s26+$0x0], $0xffff;
	v7 =	vor.u32 $0xC, v4  }
0x18b: {  	v51 =	vld.idx.msk [tilespmem:v47+s25+$0x0], $0xffff;
	v2 =	vadd.f32 v3, v2;
	v3 =	vmul.f32 v46, v45  }
0x18c: {  	v53 =	vor.u32 $0xD, v4;
	v52 =	vld.idx.msk [tilespmem:v47+s26+$0x0], $0xffff  }
0x18d: {  	v54 =	vld.idx.msk [tilespmem:v49+s25+$0x0], $0xffff;
	v2 =	vadd.f32 v3, v2;
	v3 =	vmul.f32 v5, v48  }
0x18e: {  	v55 =	vor.u32 $0xE, v4;
	v5 =	vld.idx.msk [tilespmem:v49+s26+$0x0], $0xffff  }
0x18f: {  	v56 =	vld.idx.msk [tilespmem:v7+s25+$0x0], $0xffff;
	v2 =	vadd.f32 v3, v2;
	v3 =	vmul.f32 v6, v50  }
0x190: {  	v4 =	vor.u32 $0xF, v4;
	v6 =	vld.idx.msk [tilespmem:v7+s26+$0x0], $0xffff  }
0x191: {  	v57 =	vld.idx.msk [tilespmem:v53+s26+$0x0], $0xffff;
	v2 =	vadd.f32 v3, v2;
	v3 =	vmul.f32 v52, v51  }
0x192: {  	v7 =	vld.idx.msk [tilespmem:v53+s25+$0x0], $0xffff  }
0x193: {  	v58 =	vld.idx.msk [tilespmem:v55+s25+$0x0], $0xffff;
	v2 =	vadd.f32 v3, v2;
	v3 =	vmul.f32 v5, v54  }
0x194: {  	v5 =	vld.idx.msk [tilespmem:v55+s26+$0x0], $0xffff  }
0x195: {  	v59 =	vld.idx.msk [tilespmem:v4+s25+$0x0], $0xffff;
	v2 =	vadd.f32 v3, v2;
	v3 =	vmul.f32 v6, v56  }
0x196: {  	v4 =	vld.idx.msk [tilespmem:v4+s26+$0x0], $0xffff  }
0x197: {  	v2 =	vadd.f32 v3, v2;
	v3 =	vmul.f32 v57, v7;
	_ =	sdelay $0x1  }
0x198: {  	s2 =	sadd.s32 $0x10, s4;
	v2 =	vadd.f32 v3, v2;
	v3 =	vmul.f32 v5, v58  }
0x199: {  	v5 =	vld [tilespmem:s2+$0x0]  }
0x19a: {  	s1 =	sadd.s32 $0x10, s1;
	v2 =	vadd.f32 v3, v2;
	v3 =	vmul.f32 v4, v59  }
0x19b: {  	v4 =	vld [tilespmem:s1+$0x0]  }
0x19c: {  	v2 =	vadd.f32 v3, v2;
	_ =	sdelay $0x1  }
0x19d: {  	v2 =	vadd.f32 v2, v5;
	_ =	sdelay $0x1  }
0x19e: {  	v2 =	vadd.f32 v2, v4;
	_ =	sdelay $0x1  }
0x19f: {  	v2 =	vadd.f32 v2, v1  }
0x1a0: {  	s0 =	sadd.s32 $0x10, s0  }
0x1a1: {  	s4 =	simm.s32 $0x0;
	[tilespmem:s0+$0x0] =	vst v2  }
0x1a2: {  	[tilespmem:s25], [sflag:$0x3] =	stream.linear.gather [hbm4b:s14+s4], $0x4000, $0x38;
	[tilespmem:$0x10A80] =	vst v63  }
0x1a3: {  	_ = 	snop  }
0x1a4: {  	v2 =	vmov s4;
	[tilespmem:s26], [sflag:$0x3] =	stream.linear.gather [hbm4b:s15+s4], $0x4000, $0x38;
	[tilespmem:$0x10A80] =	vst v63  }
0x1a5: {  	v2 =	vshll.u32 v2, $0x7;
	_ =	swait.ge [sflag:s28], $0x4000  }
0x1a6: {  	v2 =	vor.u32 v0, v2;
	[sflag:s28] =	ssyncset.done $0x0  }
0x1a7: {  	[sflag:s28] =	ssyncadd.s32 $0xFFFFC000  }
0x1a8: {  	v3 =	vor.u32 $0x1, v2;
	_ =	swait.ge [sflag:s28], $0x4000  }
0x1a9: {  	[sflag:s28] =	ssyncset.done $0x0  }
0x1aa: {  	v4 =	vor.u32 $0x2, v2;
	[sflag:s28] =	ssyncadd.s32 $0xFFFFC000  }
0x1ab: {  	v5 =	vld.idx.msk [tilespmem:v2+s22+$0x0], $0xffff  }
0x1ac: {  	v7 =	vor.u32 $0x3, v2;
	v6 =	vld.idx.msk [tilespmem:v2+s5+$0x0], $0xffff  }
0x1ad: {  	v60 =	vld.idx.msk [tilespmem:v3+s5+$0x0], $0xffff  }
0x1ae: {  	v61 =	vor.u32 $0x4, v2;
	v3 =	vld.idx.msk [tilespmem:v3+s22+$0x0], $0xffff  }
0x1af: {  	v62 =	vld.idx.msk [tilespmem:v4+s5+$0x0], $0xffff  }
0x1b0: {  	v63 =	vor.u32 $0x5, v2;
	v4 =	vld.idx.msk [tilespmem:v4+s22+$0x0], $0xffff  }
0x1b1: {  	v16 =	vld.idx.msk [tilespmem:v7+s5+$0x0], $0xffff;
	v5 =	vmul.f32 v5, v6  }
0x1b2: {  	v6 =	vld.idx.msk [tilespmem:v7+s22+$0x0], $0xffff;
	v7 =	vor.u32 $0x6, v2  }
0x1b3: {  	v17 =	vld.idx.msk [tilespmem:v61+s5+$0x0], $0xffff;
	v3 =	vmul.f32 v3, v60;
	v5 =	vadd.f32 $0.0e+00, v5  }
0x1b4: {  	v19 =	vor.u32 $0x7, v2;
	v18 =	vld.idx.msk [tilespmem:v61+s22+$0x0], $0xffff  }
0x1b5: {  	v20 =	vld.idx.msk [tilespmem:v63+s5+$0x0], $0xffff;
	v4 =	vmul.f32 v4, v62;
	v3 =	vadd.f32 v3, v5  }
0x1b6: {  	v21 =	vor.u32 $0x8, v2;
	v5 =	vld.idx.msk [tilespmem:v63+s22+$0x0], $0xffff  }
0x1b7: {  	v22 =	vld.idx.msk [tilespmem:v7+s5+$0x0], $0xffff;
	v3 =	vadd.f32 v4, v3;
	v4 =	vmul.f32 v6, v16  }
0x1b8: {  	v6 =	vld.idx.msk [tilespmem:v7+s22+$0x0], $0xffff;
	v7 =	vor.u32 $0x9, v2  }
0x1b9: {  	v23 =	vld.idx.msk [tilespmem:v19+s5+$0x0], $0xffff;
	v3 =	vadd.f32 v4, v3;
	v4 =	vmul.f32 v18, v17  }
0x1ba: {  	v25 =	vor.u32 $0xA, v2;
	v24 =	vld.idx.msk [tilespmem:v19+s22+$0x0], $0xffff  }
0x1bb: {  	v26 =	vld.idx.msk [tilespmem:v21+s5+$0x0], $0xffff;
	v3 =	vadd.f32 v4, v3;
	v4 =	vmul.f32 v5, v20  }
0x1bc: {  	v27 =	vor.u32 $0xB, v2;
	v5 =	vld.idx.msk [tilespmem:v21+s22+$0x0], $0xffff  }
0x1bd: {  	v28 =	vld.idx.msk [tilespmem:v7+s5+$0x0], $0xffff;
	v3 =	vadd.f32 v4, v3;
	v4 =	vmul.f32 v6, v22  }
0x1be: {  	v6 =	vld.idx.msk [tilespmem:v7+s22+$0x0], $0xffff;
	v7 =	vor.u32 $0xC, v2  }
0x1bf: {  	v29 =	vld.idx.msk [tilespmem:v25+s5+$0x0], $0xffff;
	v3 =	vadd.f32 v4, v3;
	v4 =	vmul.f32 v24, v23  }
0x1c0: {  	v31 =	vor.u32 $0xD, v2;
	v30 =	vld.idx.msk [tilespmem:v25+s22+$0x0], $0xffff  }
0x1c1: {  	v32 =	vld.idx.msk [tilespmem:v27+s5+$0x0], $0xffff;
	v3 =	vadd.f32 v4, v3;
	v4 =	vmul.f32 v5, v26  }
0x1c2: {  	v33 =	vor.u32 $0xE, v2;
	v5 =	vld.idx.msk [tilespmem:v27+s22+$0x0], $0xffff  }
0x1c3: {  	v34 =	vld.idx.msk [tilespmem:v7+s5+$0x0], $0xffff;
	v3 =	vadd.f32 v4, v3;
	v4 =	vmul.f32 v6, v28  }
0x1c4: {  	v2 =	vor.u32 $0xF, v2;
	v6 =	vld.idx.msk [tilespmem:v7+s22+$0x0], $0xffff  }
0x1c5: {  	v35 =	vld.idx.msk [tilespmem:v31+s22+$0x0], $0xffff;
	v3 =	vadd.f32 v4, v3;
	v4 =	vmul.f32 v30, v29  }
0x1c6: {  	v7 =	vld.idx.msk [tilespmem:v31+s5+$0x0], $0xffff  }
0x1c7: {  	v36 =	vld.idx.msk [tilespmem:v33+s5+$0x0], $0xffff;
	v3 =	vadd.f32 v4, v3;
	v4 =	vmul.f32 v5, v32  }
0x1c8: {  	v5 =	vld.idx.msk [tilespmem:v33+s22+$0x0], $0xffff  }
0x1c9: {  	v37 =	vld.idx.msk [tilespmem:v2+s5+$0x0], $0xffff;
	v3 =	vadd.f32 v4, v3;
	v4 =	vmul.f32 v6, v34  }
0x1ca: {  	v2 =	vld.idx.msk [tilespmem:v2+s22+$0x0], $0xffff  }
0x1cb: {  	v3 =	vadd.f32 v4, v3;
	v4 =	vmul.f32 v35, v7;
	_ =	sdelay $0x1  }
0x1cc: {  	s1 =	simm.s32 $0x10500;
	v3 =	vadd.f32 v4, v3;
	v4 =	vmul.f32 v5, v36  }
0x1cd: {  	v5 =	vld [tilespmem:s1+$0x0]  }
0x1ce: {  	s2 =	simm.s32 $0x10700;
	v2 =	vmul.f32 v2, v37;
	v3 =	vadd.f32 v4, v3  }
0x1cf: {  	v4 =	vld [tilespmem:s2+$0x0]  }
0x1d0: {  	v2 =	vadd.f32 v2, v3  }
0x1d1: {  	s4 =	simm.s32 $0x10  }
0x1d2: {  	v3 =	vmov s4;
	v2 =	vadd.f32 v2, v5  }
0x1d3: {  	v3 =	vshll.u32 v3, $0x7  }
0x1d4: {  	v3 =	vor.u32 v0, v3;
	v2 =	vadd.f32 v2, v4;
	_ =	sdelay $0x1  }
0x1d5: {  	v4 =	vor.u32 $0x1, v3;
	v2 =	vadd.f32 v2, v1  }
0x1d6: {  	s0 =	simm.s32 $0x10980  }
0x1d7: {  	v5 =	vor.u32 $0x2, v3;
	[tilespmem:s0+$0x0] =	vst v2  }
0x1d8: {  	v2 =	vld.idx.msk [tilespmem:v3+s22+$0x0], $0xffff  }
0x1d9: {  	v7 =	vor.u32 $0x3, v3;
	v6 =	vld.idx.msk [tilespmem:v3+s5+$0x0], $0xffff  }
0x1da: {  	v38 =	vld.idx.msk [tilespmem:v4+s5+$0x0], $0xffff  }
0x1db: {  	v39 =	vor.u32 $0x4, v3;
	v4 =	vld.idx.msk [tilespmem:v4+s22+$0x0], $0xffff  }
0x1dc: {  	v40 =	vld.idx.msk [tilespmem:v5+s5+$0x0], $0xffff  }
0x1dd: {  	v41 =	vor.u32 $0x5, v3;
	v5 =	vld.idx.msk [tilespmem:v5+s22+$0x0], $0xffff  }
0x1de: {  	v42 =	vld.idx.msk [tilespmem:v7+s5+$0x0], $0xffff;
	v2 =	vmul.f32 v2, v6  }
0x1df: {  	v6 =	vld.idx.msk [tilespmem:v7+s22+$0x0], $0xffff;
	v7 =	vor.u32 $0x6, v3  }
0x1e0: {  	v43 =	vld.idx.msk [tilespmem:v39+s5+$0x0], $0xffff;
	v4 =	vmul.f32 v4, v38;
	v2 =	vadd.f32 $0.0e+00, v2  }
0x1e1: {  	v45 =	vor.u32 $0x7, v3;
	v44 =	vld.idx.msk [tilespmem:v39+s22+$0x0], $0xffff  }
0x1e2: {  	v46 =	vld.idx.msk [tilespmem:v41+s5+$0x0], $0xffff;
	v2 =	vadd.f32 v4, v2;
	v4 =	vmul.f32 v5, v40  }
0x1e3: {  	v47 =	vor.u32 $0x8, v3;
	v5 =	vld.idx.msk [tilespmem:v41+s22+$0x0], $0xffff  }
0x1e4: {  	v48 =	vld.idx.msk [tilespmem:v7+s5+$0x0], $0xffff;
	v2 =	vadd.f32 v4, v2;
	v4 =	vmul.f32 v6, v42  }
0x1e5: {  	v6 =	vld.idx.msk [tilespmem:v7+s22+$0x0], $0xffff;
	v7 =	vor.u32 $0x9, v3  }
0x1e6: {  	v49 =	vld.idx.msk [tilespmem:v45+s5+$0x0], $0xffff;
	v2 =	vadd.f32 v4, v2;
	v4 =	vmul.f32 v44, v43  }
0x1e7: {  	v51 =	vor.u32 $0xA, v3;
	v50 =	vld.idx.msk [tilespmem:v45+s22+$0x0], $0xffff  }
0x1e8: {  	v52 =	vld.idx.msk [tilespmem:v47+s5+$0x0], $0xffff;
	v2 =	vadd.f32 v4, v2;
	v4 =	vmul.f32 v5, v46  }
0x1e9: {  	v53 =	vor.u32 $0xB, v3;
	v5 =	vld.idx.msk [tilespmem:v47+s22+$0x0], $0xffff  }
0x1ea: {  	v54 =	vld.idx.msk [tilespmem:v7+s5+$0x0], $0xffff;
	v2 =	vadd.f32 v4, v2;
	v4 =	vmul.f32 v6, v48  }
0x1eb: {  	v6 =	vld.idx.msk [tilespmem:v7+s22+$0x0], $0xffff;
	v7 =	vor.u32 $0xC, v3  }
0x1ec: {  	v55 =	vld.idx.msk [tilespmem:v51+s5+$0x0], $0xffff;
	v2 =	vadd.f32 v4, v2;
	v4 =	vmul.f32 v50, v49  }
0x1ed: {  	v57 =	vor.u32 $0xD, v3;
	v56 =	vld.idx.msk [tilespmem:v51+s22+$0x0], $0xffff  }
0x1ee: {  	v58 =	vld.idx.msk [tilespmem:v53+s5+$0x0], $0xffff;
	v2 =	vadd.f32 v4, v2;
	v4 =	vmul.f32 v5, v52  }
0x1ef: {  	v59 =	vor.u32 $0xE, v3;
	v5 =	vld.idx.msk [tilespmem:v53+s22+$0x0], $0xffff  }
0x1f0: {  	v60 =	vld.idx.msk [tilespmem:v7+s5+$0x0], $0xffff;
	v2 =	vadd.f32 v4, v2;
	v4 =	vmul.f32 v6, v54  }
0x1f1: {  	v3 =	vor.u32 $0xF, v3;
	v6 =	vld.idx.msk [tilespmem:v7+s22+$0x0], $0xffff  }
0x1f2: {  	v61 =	vld.idx.msk [tilespmem:v57+s22+$0x0], $0xffff;
	v2 =	vadd.f32 v4, v2;
	v4 =	vmul.f32 v56, v55  }
0x1f3: {  	v7 =	vld.idx.msk [tilespmem:v57+s5+$0x0], $0xffff  }
0x1f4: {  	v62 =	vld.idx.msk [tilespmem:v59+s5+$0x0], $0xffff;
	v2 =	vadd.f32 v4, v2;
	v4 =	vmul.f32 v5, v58  }
0x1f5: {  	v5 =	vld.idx.msk [tilespmem:v59+s22+$0x0], $0xffff  }
0x1f6: {  	v63 =	vld.idx.msk [tilespmem:v3+s5+$0x0], $0xffff;
	v2 =	vadd.f32 v4, v2;
	v4 =	vmul.f32 v6, v60  }
0x1f7: {  	v3 =	vld.idx.msk [tilespmem:v3+s22+$0x0], $0xffff  }
0x1f8: {  	v2 =	vadd.f32 v4, v2;
	v4 =	vmul.f32 v61, v7;
	_ =	sdelay $0x1  }
0x1f9: {  	v2 =	vadd.f32 v4, v2;
	v4 =	vmul.f32 v5, v62  }
0x1fa: {  	s4 =	simm.s32 $0x10510  }
0x1fb: {  	v3 =	vmul.f32 v3, v63;
	v5 =	vld [tilespmem:s4+$0x0];
	v2 =	vadd.f32 v4, v2  }
0x1fc: {  	s1 =	simm.s32 $0x10710  }
0x1fd: {  	v3 =	vadd.f32 v3, v2;
	v2 =	vld [tilespmem:s1+$0x0];
	_ =	sdelay $0x1  }
0x1fe: {  	s2 =	simm.s32 $0x20  }
0x1ff: {  	v4 =	vmov s2;
	v3 =	vadd.f32 v3, v5  }
0x200: {  	s2 =	simm.s32 $0x30;
	v4 =	vshll.u32 v4, $0x7  }
.LBB2_6:
0x201: {  	p0 =	sne.s32 s2, $0x70;
	v4 =	vor.u32 v0, v4;
	v2 =	vadd.f32 v3, v2;
	_ =	sdelay $0x1  }
0x202: {  	v3 =	vor.u32 $0x1, v4;
	v2 =	vadd.f32 v2, v1  }
0x203: {  	s0 =	sadd.s32 $0x10, s0  }
0x204: {  	v5 =	vor.u32 $0x2, v4;
	[tilespmem:s0+$0x0] =	vst v2  }
0x205: {  	v2 =	vld.idx.msk [tilespmem:v4+s22+$0x0], $0xffff  }
0x206: {  	v7 =	vor.u32 $0x3, v4;
	v6 =	vld.idx.msk [tilespmem:v4+s5+$0x0], $0xffff  }
0x207: {  	v8 =	vld.idx.msk [tilespmem:v3+s5+$0x0], $0xffff  }
0x208: {  	v9 =	vor.u32 $0x4, v4;
	v3 =	vld.idx.msk [tilespmem:v3+s22+$0x0], $0xffff  }
0x209: {  	v10 =	vld.idx.msk [tilespmem:v5+s5+$0x0], $0xffff  }
0x20a: {  	v11 =	vor.u32 $0x5, v4;
	v5 =	vld.idx.msk [tilespmem:v5+s22+$0x0], $0xffff  }
0x20b: {  	v12 =	vld.idx.msk [tilespmem:v7+s5+$0x0], $0xffff  }
0x20c: {  	v2 =	vmul.f32 v2, v6;
	v6 =	vld.idx.msk [tilespmem:v7+s22+$0x0], $0xffff;
	v7 =	vor.u32 $0x6, v4  }
0x20d: {  	v13 =	vld.idx.msk [tilespmem:v9+s5+$0x0], $0xffff  }
0x20e: {  	v2 =	vadd.f32 $0.0e+00, v2;
	v3 =	vmul.f32 v3, v8;
	v8 =	vld.idx.msk [tilespmem:v9+s22+$0x0], $0xffff;
	v9 =	vor.u32 $0x7, v4  }
0x20f: {  	v14 =	vld.idx.msk [tilespmem:v11+s5+$0x0], $0xffff  }
0x210: {  	v2 =	vadd.f32 v3, v2;
	v3 =	vmul.f32 v5, v10;
	v10 =	vor.u32 $0x8, v4;
	v5 =	vld.idx.msk [tilespmem:v11+s22+$0x0], $0xffff  }
0x211: {  	v11 =	vld.idx.msk [tilespmem:v7+s5+$0x0], $0xffff  }
0x212: {  	v2 =	vadd.f32 v3, v2;
	v3 =	vmul.f32 v6, v12;
	v6 =	vld.idx.msk [tilespmem:v7+s22+$0x0], $0xffff;
	v7 =	vor.u32 $0x9, v4  }
0x213: {  	v12 =	vld.idx.msk [tilespmem:v9+s5+$0x0], $0xffff  }
0x214: {  	v2 =	vadd.f32 v3, v2;
	v3 =	vmul.f32 v8, v13;
	v8 =	vld.idx.msk [tilespmem:v9+s22+$0x0], $0xffff;
	v9 =	vor.u32 $0xA, v4  }
0x215: {  	v13 =	vld.idx.msk [tilespmem:v10+s5+$0x0], $0xffff  }
0x216: {  	v2 =	vadd.f32 v3, v2;
	v3 =	vmul.f32 v5, v14;
	v5 =	vld.idx.msk [tilespmem:v10+s22+$0x0], $0xffff;
	v10 =	vor.u32 $0xB, v4  }
0x217: {  	v14 =	vld.idx.msk [tilespmem:v7+s5+$0x0], $0xffff  }
0x218: {  	v2 =	vadd.f32 v3, v2;
	v3 =	vmul.f32 v6, v11;
	v6 =	vld.idx.msk [tilespmem:v7+s22+$0x0], $0xffff;
	v7 =	vor.u32 $0xC, v4  }
0x219: {  	v11 =	vld.idx.msk [tilespmem:v9+s5+$0x0], $0xffff  }
0x21a: {  	v2 =	vadd.f32 v3, v2;
	v3 =	vmul.f32 v8, v12;
	v8 =	vld.idx.msk [tilespmem:v9+s22+$0x0], $0xffff;
	v9 =	vor.u32 $0xD, v4  }
0x21b: {  	v12 =	vld.idx.msk [tilespmem:v10+s5+$0x0], $0xffff  }
0x21c: {  	v2 =	vadd.f32 v3, v2;
	v3 =	vmul.f32 v5, v13;
	v5 =	vld.idx.msk [tilespmem:v10+s22+$0x0], $0xffff;
	v10 =	vor.u32 $0xE, v4  }
0x21d: {  	v13 =	vld.idx.msk [tilespmem:v7+s5+$0x0], $0xffff  }
0x21e: {  	v4 =	vor.u32 $0xF, v4;
	v2 =	vadd.f32 v3, v2;
	v3 =	vmul.f32 v6, v14;
	v6 =	vld.idx.msk [tilespmem:v7+s22+$0x0], $0xffff  }
0x21f: {  	v7 =	vld.idx.msk [tilespmem:v9+s5+$0x0], $0xffff  }
0x220: {  	v2 =	vadd.f32 v3, v2;
	v3 =	vmul.f32 v8, v11;
	v8 =	vld.idx.msk [tilespmem:v9+s22+$0x0], $0xffff  }
0x221: {  	v9 =	vld.idx.msk [tilespmem:v10+s5+$0x0], $0xffff  }
0x222: {  	v2 =	vadd.f32 v3, v2;
	v3 =	vmul.f32 v5, v12;
	v5 =	vld.idx.msk [tilespmem:v10+s22+$0x0], $0xffff  }
0x223: {  	v10 =	vld.idx.msk [tilespmem:v4+s5+$0x0], $0xffff  }
0x224: {  	v2 =	vadd.f32 v3, v2;
	v3 =	vmul.f32 v6, v13;
	v4 =	vld.idx.msk [tilespmem:v4+s22+$0x0], $0xffff;
	_ =	sdelay $0x1  }
0x225: {  	v2 =	vadd.f32 v3, v2;
	v3 =	vmul.f32 v8, v7;
	_ =	sdelay $0x1  }
0x226: {  	s4 =	sadd.s32 $0x10, s4;
	v2 =	vadd.f32 v3, v2;
	v3 =	vmul.f32 v5, v9  }
0x227: {  	v5 =	vld [tilespmem:s4+$0x0]  }
0x228: {  	s1 =	sadd.s32 $0x10, s1;
	v3 =	vadd.f32 v3, v2;
	v4 =	vmul.f32 v4, v10  }
.Ltmp2:
0x229: {  	v2 =	vld [tilespmem:s1+$0x0];
	(pc) =	sbr.rel @p0 .LBB2_6-.Ltmp2, $3  }
0x22a: {  	v3 =	vadd.f32 v4, v3;
	_ =	sdelay $0x1  }
0x22b: {  	v4 =	vmov s2;
	v3 =	vadd.f32 v3, v5  }
0x22c: {  	s2 =	sadd.s32 $0x10, s2;
	v4 =	vshll.u32 v4, $0x7  }
0x22d: {  	v4 =	vor.u32 v0, v4;
	v2 =	vadd.f32 v3, v2;
	_ =	sdelay $0x1  }
0x22e: {  	v3 =	vor.u32 $0x1, v4;
	v2 =	vadd.f32 v2, v1  }
0x22f: {  	s0 =	sadd.s32 $0x10, s0  }
0x230: {  	v5 =	vor.u32 $0x2, v4;
	[tilespmem:s0+$0x0] =	vst v2  }
0x231: {  	v2 =	vld.idx.msk [tilespmem:v4+s22+$0x0], $0xffff  }
0x232: {  	v7 =	vor.u32 $0x3, v4;
	v6 =	vld.idx.msk [tilespmem:v4+s5+$0x0], $0xffff  }
0x233: {  	v8 =	vld.idx.msk [tilespmem:v3+s5+$0x0], $0xffff  }
0x234: {  	v9 =	vor.u32 $0x4, v4;
	v3 =	vld.idx.msk [tilespmem:v3+s22+$0x0], $0xffff  }
0x235: {  	v10 =	vld.idx.msk [tilespmem:v5+s5+$0x0], $0xffff  }
0x236: {  	v11 =	vor.u32 $0x5, v4;
	v5 =	vld.idx.msk [tilespmem:v5+s22+$0x0], $0xffff  }
0x237: {  	v12 =	vld.idx.msk [tilespmem:v7+s5+$0x0], $0xffff;
	v2 =	vmul.f32 v2, v6  }
0x238: {  	v6 =	vld.idx.msk [tilespmem:v7+s22+$0x0], $0xffff;
	v7 =	vor.u32 $0x6, v4  }
0x239: {  	v13 =	vld.idx.msk [tilespmem:v9+s5+$0x0], $0xffff;
	v3 =	vmul.f32 v3, v8;
	v2 =	vadd.f32 $0.0e+00, v2  }
0x23a: {  	v42 =	vor.u32 $0x7, v4;
	v41 =	vld.idx.msk [tilespmem:v9+s22+$0x0], $0xffff  }
0x23b: {  	v14 =	vld.idx.msk [tilespmem:v11+s5+$0x0], $0xffff;
	v2 =	vadd.f32 v3, v2;
	v3 =	vmul.f32 v5, v10  }
0x23c: {  	v43 =	vor.u32 $0x8, v4;
	v5 =	vld.idx.msk [tilespmem:v11+s22+$0x0], $0xffff  }
0x23d: {  	v44 =	vld.idx.msk [tilespmem:v7+s5+$0x0], $0xffff;
	v2 =	vadd.f32 v3, v2;
	v3 =	vmul.f32 v6, v12  }
0x23e: {  	v6 =	vld.idx.msk [tilespmem:v7+s22+$0x0], $0xffff;
	v7 =	vor.u32 $0x9, v4  }
0x23f: {  	v45 =	vld.idx.msk [tilespmem:v42+s5+$0x0], $0xffff;
	v2 =	vadd.f32 v3, v2;
	v3 =	vmul.f32 v41, v13  }
0x240: {  	v47 =	vor.u32 $0xA, v4;
	v46 =	vld.idx.msk [tilespmem:v42+s22+$0x0], $0xffff  }
0x241: {  	v48 =	vld.idx.msk [tilespmem:v43+s5+$0x0], $0xffff;
	v2 =	vadd.f32 v3, v2;
	v3 =	vmul.f32 v5, v14  }
0x242: {  	v49 =	vor.u32 $0xB, v4;
	v5 =	vld.idx.msk [tilespmem:v43+s22+$0x0], $0xffff  }
0x243: {  	v50 =	vld.idx.msk [tilespmem:v7+s5+$0x0], $0xffff;
	v2 =	vadd.f32 v3, v2;
	v3 =	vmul.f32 v6, v44  }
0x244: {  	v6 =	vld.idx.msk [tilespmem:v7+s22+$0x0], $0xffff;
	v7 =	vor.u32 $0xC, v4  }
0x245: {  	v51 =	vld.idx.msk [tilespmem:v47+s5+$0x0], $0xffff;
	v2 =	vadd.f32 v3, v2;
	v3 =	vmul.f32 v46, v45  }
0x246: {  	v53 =	vor.u32 $0xD, v4;
	v52 =	vld.idx.msk [tilespmem:v47+s22+$0x0], $0xffff  }
0x247: {  	v54 =	vld.idx.msk [tilespmem:v49+s5+$0x0], $0xffff;
	v2 =	vadd.f32 v3, v2;
	v3 =	vmul.f32 v5, v48  }
0x248: {  	v55 =	vor.u32 $0xE, v4;
	v5 =	vld.idx.msk [tilespmem:v49+s22+$0x0], $0xffff  }
0x249: {  	v56 =	vld.idx.msk [tilespmem:v7+s5+$0x0], $0xffff;
	v2 =	vadd.f32 v3, v2;
	v3 =	vmul.f32 v6, v50  }
0x24a: {  	v4 =	vor.u32 $0xF, v4;
	v6 =	vld.idx.msk [tilespmem:v7+s22+$0x0], $0xffff  }
0x24b: {  	v57 =	vld.idx.msk [tilespmem:v53+s22+$0x0], $0xffff;
	v2 =	vadd.f32 v3, v2;
	v3 =	vmul.f32 v52, v51  }
0x24c: {  	v7 =	vld.idx.msk [tilespmem:v53+s5+$0x0], $0xffff  }
0x24d: {  	v58 =	vld.idx.msk [tilespmem:v55+s5+$0x0], $0xffff;
	v2 =	vadd.f32 v3, v2;
	v3 =	vmul.f32 v5, v54  }
0x24e: {  	v5 =	vld.idx.msk [tilespmem:v55+s22+$0x0], $0xffff  }
0x24f: {  	v59 =	vld.idx.msk [tilespmem:v4+s5+$0x0], $0xffff;
	v2 =	vadd.f32 v3, v2;
	v3 =	vmul.f32 v6, v56  }
0x250: {  	v4 =	vld.idx.msk [tilespmem:v4+s22+$0x0], $0xffff  }
0x251: {  	v2 =	vadd.f32 v3, v2;
	v3 =	vmul.f32 v57, v7;
	_ =	sdelay $0x1  }
0x252: {  	s2 =	sadd.s32 $0x10, s4;
	v2 =	vadd.f32 v3, v2;
	v3 =	vmul.f32 v5, v58  }
0x253: {  	v5 =	vld [tilespmem:s2+$0x0]  }
0x254: {  	s1 =	sadd.s32 $0x10, s1;
	v2 =	vadd.f32 v3, v2;
	v3 =	vmul.f32 v4, v59  }
0x255: {  	v4 =	vld [tilespmem:s1+$0x0]  }
0x256: {  	v2 =	vadd.f32 v3, v2;
	_ =	sdelay $0x1  }
0x257: {  	v2 =	vadd.f32 v2, v5;
	_ =	sdelay $0x1  }
0x258: {  	v2 =	vadd.f32 v2, v4;
	_ =	sdelay $0x1  }
0x259: {  	v2 =	vadd.f32 v2, v1  }
0x25a: {  	s4 =	simm.s32 $0x0;
	s0 =	sadd.s32 $0x10, s0  }
0x25b: {  	[tilespmem:s0+$0x0] =	vst v2;
	v2 =	vmov s4  }
0x25c: {  	_ =	swait.ge [sflag:s29], $0x4000;
	v2 =	vshll.u32 v2, $0x7  }
0x25d: {  	[sflag:s29] =	ssyncset.done $0x0;
	v2 =	vor.u32 v0, v2  }
0x25e: {  	[sflag:s29] =	ssyncadd.s32 $0xFFFFC000  }
0x25f: {  	v3 =	vor.u32 $0x1, v2;
	_ =	swait.ge [sflag:s29], $0x4000  }
0x260: {  	[sflag:s29] =	ssyncset.done $0x0  }
0x261: {  	v4 =	vor.u32 $0x2, v2;
	[sflag:s29] =	ssyncadd.s32 $0xFFFFC000  }
0x262: {  	v5 =	vld.idx.msk [tilespmem:v2+s26+$0x0], $0xffff  }
0x263: {  	v7 =	vor.u32 $0x3, v2;
	v6 =	vld.idx.msk [tilespmem:v2+s25+$0x0], $0xffff  }
0x264: {  	v60 =	vld.idx.msk [tilespmem:v3+s25+$0x0], $0xffff  }
0x265: {  	v61 =	vor.u32 $0x4, v2;
	v3 =	vld.idx.msk [tilespmem:v3+s26+$0x0], $0xffff  }
0x266: {  	v62 =	vld.idx.msk [tilespmem:v4+s25+$0x0], $0xffff  }
0x267: {  	v63 =	vor.u32 $0x5, v2;
	v4 =	vld.idx.msk [tilespmem:v4+s26+$0x0], $0xffff  }
0x268: {  	v16 =	vld.idx.msk [tilespmem:v7+s25+$0x0], $0xffff;
	v5 =	vmul.f32 v5, v6  }
0x269: {  	v6 =	vld.idx.msk [tilespmem:v7+s26+$0x0], $0xffff;
	v7 =	vor.u32 $0x6, v2  }
0x26a: {  	v17 =	vld.idx.msk [tilespmem:v61+s25+$0x0], $0xffff;
	v3 =	vmul.f32 v3, v60;
	v5 =	vadd.f32 $0.0e+00, v5  }
0x26b: {  	v19 =	vor.u32 $0x7, v2;
	v18 =	vld.idx.msk [tilespmem:v61+s26+$0x0], $0xffff  }
0x26c: {  	v20 =	vld.idx.msk [tilespmem:v63+s25+$0x0], $0xffff;
	v4 =	vmul.f32 v4, v62;
	v3 =	vadd.f32 v3, v5  }
0x26d: {  	v21 =	vor.u32 $0x8, v2;
	v5 =	vld.idx.msk [tilespmem:v63+s26+$0x0], $0xffff  }
0x26e: {  	v22 =	vld.idx.msk [tilespmem:v7+s25+$0x0], $0xffff;
	v3 =	vadd.f32 v4, v3;
	v4 =	vmul.f32 v6, v16  }
0x26f: {  	v6 =	vld.idx.msk [tilespmem:v7+s26+$0x0], $0xffff;
	v7 =	vor.u32 $0x9, v2  }
0x270: {  	v23 =	vld.idx.msk [tilespmem:v19+s25+$0x0], $0xffff;
	v3 =	vadd.f32 v4, v3;
	v4 =	vmul.f32 v18, v17  }
0x271: {  	v25 =	vor.u32 $0xA, v2;
	v24 =	vld.idx.msk [tilespmem:v19+s26+$0x0], $0xffff  }
0x272: {  	v26 =	vld.idx.msk [tilespmem:v21+s25+$0x0], $0xffff;
	v3 =	vadd.f32 v4, v3;
	v4 =	vmul.f32 v5, v20  }
0x273: {  	v27 =	vor.u32 $0xB, v2;
	v5 =	vld.idx.msk [tilespmem:v21+s26+$0x0], $0xffff  }
0x274: {  	v28 =	vld.idx.msk [tilespmem:v7+s25+$0x0], $0xffff;
	v3 =	vadd.f32 v4, v3;
	v4 =	vmul.f32 v6, v22  }
0x275: {  	v6 =	vld.idx.msk [tilespmem:v7+s26+$0x0], $0xffff;
	v7 =	vor.u32 $0xC, v2  }
0x276: {  	v29 =	vld.idx.msk [tilespmem:v25+s25+$0x0], $0xffff;
	v3 =	vadd.f32 v4, v3;
	v4 =	vmul.f32 v24, v23  }
0x277: {  	v31 =	vor.u32 $0xD, v2;
	v30 =	vld.idx.msk [tilespmem:v25+s26+$0x0], $0xffff  }
0x278: {  	v32 =	vld.idx.msk [tilespmem:v27+s25+$0x0], $0xffff;
	v3 =	vadd.f32 v4, v3;
	v4 =	vmul.f32 v5, v26  }
0x279: {  	v33 =	vor.u32 $0xE, v2;
	v5 =	vld.idx.msk [tilespmem:v27+s26+$0x0], $0xffff  }
0x27a: {  	v34 =	vld.idx.msk [tilespmem:v7+s25+$0x0], $0xffff;
	v3 =	vadd.f32 v4, v3;
	v4 =	vmul.f32 v6, v28  }
0x27b: {  	v2 =	vor.u32 $0xF, v2;
	v6 =	vld.idx.msk [tilespmem:v7+s26+$0x0], $0xffff  }
0x27c: {  	v35 =	vld.idx.msk [tilespmem:v31+s26+$0x0], $0xffff;
	v3 =	vadd.f32 v4, v3;
	v4 =	vmul.f32 v30, v29  }
0x27d: {  	v7 =	vld.idx.msk [tilespmem:v31+s25+$0x0], $0xffff  }
0x27e: {  	v36 =	vld.idx.msk [tilespmem:v33+s25+$0x0], $0xffff;
	v3 =	vadd.f32 v4, v3;
	v4 =	vmul.f32 v5, v32  }
0x27f: {  	v5 =	vld.idx.msk [tilespmem:v33+s26+$0x0], $0xffff  }
0x280: {  	v37 =	vld.idx.msk [tilespmem:v2+s25+$0x0], $0xffff;
	v3 =	vadd.f32 v4, v3;
	v4 =	vmul.f32 v6, v34  }
0x281: {  	v2 =	vld.idx.msk [tilespmem:v2+s26+$0x0], $0xffff  }
0x282: {  	v3 =	vadd.f32 v4, v3;
	v4 =	vmul.f32 v35, v7;
	_ =	sdelay $0x1  }
0x283: {  	s1 =	simm.s32 $0x10580;
	v3 =	vadd.f32 v4, v3;
	v4 =	vmul.f32 v5, v36  }
0x284: {  	v5 =	vld [tilespmem:s1+$0x0]  }
0x285: {  	s2 =	simm.s32 $0x10780;
	v2 =	vmul.f32 v2, v37;
	v3 =	vadd.f32 v4, v3  }
0x286: {  	v4 =	vld [tilespmem:s2+$0x0]  }
0x287: {  	v2 =	vadd.f32 v2, v3  }
0x288: {  	s4 =	simm.s32 $0x10  }
0x289: {  	v3 =	vmov s4;
	v2 =	vadd.f32 v2, v5  }
0x28a: {  	v3 =	vshll.u32 v3, $0x7  }
0x28b: {  	v3 =	vor.u32 v0, v3;
	v2 =	vadd.f32 v2, v4;
	_ =	sdelay $0x1  }
0x28c: {  	v4 =	vor.u32 $0x1, v3;
	v2 =	vadd.f32 v2, v1  }
0x28d: {  	s0 =	simm.s32 $0x10A00  }
0x28e: {  	v5 =	vor.u32 $0x2, v3;
	[tilespmem:s0+$0x0] =	vst v2  }
0x28f: {  	v2 =	vld.idx.msk [tilespmem:v3+s26+$0x0], $0xffff  }
0x290: {  	v7 =	vor.u32 $0x3, v3;
	v6 =	vld.idx.msk [tilespmem:v3+s25+$0x0], $0xffff  }
0x291: {  	v38 =	vld.idx.msk [tilespmem:v4+s25+$0x0], $0xffff  }
0x292: {  	v39 =	vor.u32 $0x4, v3;
	v4 =	vld.idx.msk [tilespmem:v4+s26+$0x0], $0xffff  }
0x293: {  	v40 =	vld.idx.msk [tilespmem:v5+s25+$0x0], $0xffff  }
0x294: {  	v41 =	vor.u32 $0x5, v3;
	v5 =	vld.idx.msk [tilespmem:v5+s26+$0x0], $0xffff  }
0x295: {  	v42 =	vld.idx.msk [tilespmem:v7+s25+$0x0], $0xffff;
	v2 =	vmul.f32 v2, v6  }
0x296: {  	v6 =	vld.idx.msk [tilespmem:v7+s26+$0x0], $0xffff;
	v7 =	vor.u32 $0x6, v3  }
0x297: {  	v43 =	vld.idx.msk [tilespmem:v39+s25+$0x0], $0xffff;
	v4 =	vmul.f32 v4, v38;
	v2 =	vadd.f32 $0.0e+00, v2  }
0x298: {  	v45 =	vor.u32 $0x7, v3;
	v44 =	vld.idx.msk [tilespmem:v39+s26+$0x0], $0xffff  }
0x299: {  	v46 =	vld.idx.msk [tilespmem:v41+s25+$0x0], $0xffff;
	v2 =	vadd.f32 v4, v2;
	v4 =	vmul.f32 v5, v40  }
0x29a: {  	v47 =	vor.u32 $0x8, v3;
	v5 =	vld.idx.msk [tilespmem:v41+s26+$0x0], $0xffff  }
0x29b: {  	v48 =	vld.idx.msk [tilespmem:v7+s25+$0x0], $0xffff;
	v2 =	vadd.f32 v4, v2;
	v4 =	vmul.f32 v6, v42  }
0x29c: {  	v6 =	vld.idx.msk [tilespmem:v7+s26+$0x0], $0xffff;
	v7 =	vor.u32 $0x9, v3  }
0x29d: {  	v49 =	vld.idx.msk [tilespmem:v45+s25+$0x0], $0xffff;
	v2 =	vadd.f32 v4, v2;
	v4 =	vmul.f32 v44, v43  }
0x29e: {  	v51 =	vor.u32 $0xA, v3;
	v50 =	vld.idx.msk [tilespmem:v45+s26+$0x0], $0xffff  }
0x29f: {  	v52 =	vld.idx.msk [tilespmem:v47+s25+$0x0], $0xffff;
	v2 =	vadd.f32 v4, v2;
	v4 =	vmul.f32 v5, v46  }
0x2a0: {  	v53 =	vor.u32 $0xB, v3;
	v5 =	vld.idx.msk [tilespmem:v47+s26+$0x0], $0xffff  }
0x2a1: {  	v54 =	vld.idx.msk [tilespmem:v7+s25+$0x0], $0xffff;
	v2 =	vadd.f32 v4, v2;
	v4 =	vmul.f32 v6, v48  }
0x2a2: {  	v6 =	vld.idx.msk [tilespmem:v7+s26+$0x0], $0xffff;
	v7 =	vor.u32 $0xC, v3  }
0x2a3: {  	v55 =	vld.idx.msk [tilespmem:v51+s25+$0x0], $0xffff;
	v2 =	vadd.f32 v4, v2;
	v4 =	vmul.f32 v50, v49  }
0x2a4: {  	v57 =	vor.u32 $0xD, v3;
	v56 =	vld.idx.msk [tilespmem:v51+s26+$0x0], $0xffff  }
0x2a5: {  	v58 =	vld.idx.msk [tilespmem:v53+s25+$0x0], $0xffff;
	v2 =	vadd.f32 v4, v2;
	v4 =	vmul.f32 v5, v52  }
0x2a6: {  	v59 =	vor.u32 $0xE, v3;
	v5 =	vld.idx.msk [tilespmem:v53+s26+$0x0], $0xffff  }
0x2a7: {  	v60 =	vld.idx.msk [tilespmem:v7+s25+$0x0], $0xffff;
	v2 =	vadd.f32 v4, v2;
	v4 =	vmul.f32 v6, v54  }
0x2a8: {  	v3 =	vor.u32 $0xF, v3;
	v6 =	vld.idx.msk [tilespmem:v7+s26+$0x0], $0xffff  }
0x2a9: {  	v61 =	vld.idx.msk [tilespmem:v57+s26+$0x0], $0xffff;
	v2 =	vadd.f32 v4, v2;
	v4 =	vmul.f32 v56, v55  }
0x2aa: {  	v7 =	vld.idx.msk [tilespmem:v57+s25+$0x0], $0xffff  }
0x2ab: {  	v62 =	vld.idx.msk [tilespmem:v59+s25+$0x0], $0xffff;
	v2 =	vadd.f32 v4, v2;
	v4 =	vmul.f32 v5, v58  }
0x2ac: {  	v5 =	vld.idx.msk [tilespmem:v59+s26+$0x0], $0xffff  }
0x2ad: {  	v63 =	vld.idx.msk [tilespmem:v3+s25+$0x0], $0xffff;
	v2 =	vadd.f32 v4, v2;
	v4 =	vmul.f32 v6, v60  }
0x2ae: {  	v3 =	vld.idx.msk [tilespmem:v3+s26+$0x0], $0xffff  }
0x2af: {  	v2 =	vadd.f32 v4, v2;
	v4 =	vmul.f32 v61, v7;
	_ =	sdelay $0x1  }
0x2b0: {  	v2 =	vadd.f32 v4, v2;
	v4 =	vmul.f32 v5, v62  }
0x2b1: {  	s4 =	simm.s32 $0x10590  }
0x2b2: {  	v3 =	vmul.f32 v3, v63;
	v5 =	vld [tilespmem:s4+$0x0];
	v2 =	vadd.f32 v4, v2  }
0x2b3: {  	s1 =	simm.s32 $0x10790  }
0x2b4: {  	v3 =	vadd.f32 v3, v2;
	v2 =	vld [tilespmem:s1+$0x0];
	_ =	sdelay $0x1  }
0x2b5: {  	s2 =	simm.s32 $0x20  }
0x2b6: {  	v4 =	vmov s2;
	v3 =	vadd.f32 v3, v5  }
0x2b7: {  	s2 =	simm.s32 $0x30;
	v4 =	vshll.u32 v4, $0x7  }
.LBB2_8:
0x2b8: {  	p0 =	sne.s32 s2, $0x70;
	v4 =	vor.u32 v0, v4;
	v2 =	vadd.f32 v3, v2;
	_ =	sdelay $0x1  }
0x2b9: {  	v3 =	vor.u32 $0x1, v4;
	v2 =	vadd.f32 v2, v1  }
0x2ba: {  	s0 =	sadd.s32 $0x10, s0  }
0x2bb: {  	v5 =	vor.u32 $0x2, v4;
	[tilespmem:s0+$0x0] =	vst v2  }
0x2bc: {  	v2 =	vld.idx.msk [tilespmem:v4+s26+$0x0], $0xffff  }
0x2bd: {  	v7 =	vor.u32 $0x3, v4;
	v6 =	vld.idx.msk [tilespmem:v4+s25+$0x0], $0xffff  }
0x2be: {  	v8 =	vld.idx.msk [tilespmem:v3+s25+$0x0], $0xffff  }
0x2bf: {  	v9 =	vor.u32 $0x4, v4;
	v3 =	vld.idx.msk [tilespmem:v3+s26+$0x0], $0xffff  }
0x2c0: {  	v10 =	vld.idx.msk [tilespmem:v5+s25+$0x0], $0xffff  }
0x2c1: {  	v11 =	vor.u32 $0x5, v4;
	v5 =	vld.idx.msk [tilespmem:v5+s26+$0x0], $0xffff  }
0x2c2: {  	v12 =	vld.idx.msk [tilespmem:v7+s25+$0x0], $0xffff  }
0x2c3: {  	v2 =	vmul.f32 v2, v6;
	v6 =	vld.idx.msk [tilespmem:v7+s26+$0x0], $0xffff;
	v7 =	vor.u32 $0x6, v4  }
0x2c4: {  	v13 =	vld.idx.msk [tilespmem:v9+s25+$0x0], $0xffff  }
0x2c5: {  	v2 =	vadd.f32 $0.0e+00, v2;
	v3 =	vmul.f32 v3, v8;
	v8 =	vld.idx.msk [tilespmem:v9+s26+$0x0], $0xffff;
	v9 =	vor.u32 $0x7, v4  }
0x2c6: {  	v14 =	vld.idx.msk [tilespmem:v11+s25+$0x0], $0xffff  }
0x2c7: {  	v2 =	vadd.f32 v3, v2;
	v3 =	vmul.f32 v5, v10;
	v10 =	vor.u32 $0x8, v4;
	v5 =	vld.idx.msk [tilespmem:v11+s26+$0x0], $0xffff  }
0x2c8: {  	v11 =	vld.idx.msk [tilespmem:v7+s25+$0x0], $0xffff  }
0x2c9: {  	v2 =	vadd.f32 v3, v2;
	v3 =	vmul.f32 v6, v12;
	v6 =	vld.idx.msk [tilespmem:v7+s26+$0x0], $0xffff;
	v7 =	vor.u32 $0x9, v4  }
0x2ca: {  	v12 =	vld.idx.msk [tilespmem:v9+s25+$0x0], $0xffff  }
0x2cb: {  	v2 =	vadd.f32 v3, v2;
	v3 =	vmul.f32 v8, v13;
	v8 =	vld.idx.msk [tilespmem:v9+s26+$0x0], $0xffff;
	v9 =	vor.u32 $0xA, v4  }
0x2cc: {  	v13 =	vld.idx.msk [tilespmem:v10+s25+$0x0], $0xffff  }
0x2cd: {  	v2 =	vadd.f32 v3, v2;
	v3 =	vmul.f32 v5, v14;
	v5 =	vld.idx.msk [tilespmem:v10+s26+$0x0], $0xffff;
	v10 =	vor.u32 $0xB, v4  }
0x2ce: {  	v14 =	vld.idx.msk [tilespmem:v7+s25+$0x0], $0xffff  }
0x2cf: {  	v2 =	vadd.f32 v3, v2;
	v3 =	vmul.f32 v6, v11;
	v6 =	vld.idx.msk [tilespmem:v7+s26+$0x0], $0xffff;
	v7 =	vor.u32 $0xC, v4  }
0x2d0: {  	v11 =	vld.idx.msk [tilespmem:v9+s25+$0x0], $0xffff  }
0x2d1: {  	v2 =	vadd.f32 v3, v2;
	v3 =	vmul.f32 v8, v12;
	v8 =	vld.idx.msk [tilespmem:v9+s26+$0x0], $0xffff;
	v9 =	vor.u32 $0xD, v4  }
0x2d2: {  	v12 =	vld.idx.msk [tilespmem:v10+s25+$0x0], $0xffff  }
0x2d3: {  	v2 =	vadd.f32 v3, v2;
	v3 =	vmul.f32 v5, v13;
	v5 =	vld.idx.msk [tilespmem:v10+s26+$0x0], $0xffff;
	v10 =	vor.u32 $0xE, v4  }
0x2d4: {  	v13 =	vld.idx.msk [tilespmem:v7+s25+$0x0], $0xffff  }
0x2d5: {  	v4 =	vor.u32 $0xF, v4;
	v2 =	vadd.f32 v3, v2;
	v3 =	vmul.f32 v6, v14;
	v6 =	vld.idx.msk [tilespmem:v7+s26+$0x0], $0xffff  }
0x2d6: {  	v7 =	vld.idx.msk [tilespmem:v9+s25+$0x0], $0xffff  }
0x2d7: {  	v2 =	vadd.f32 v3, v2;
	v3 =	vmul.f32 v8, v11;
	v8 =	vld.idx.msk [tilespmem:v9+s26+$0x0], $0xffff  }
0x2d8: {  	v9 =	vld.idx.msk [tilespmem:v10+s25+$0x0], $0xffff  }
0x2d9: {  	v2 =	vadd.f32 v3, v2;
	v3 =	vmul.f32 v5, v12;
	v5 =	vld.idx.msk [tilespmem:v10+s26+$0x0], $0xffff  }
0x2da: {  	v10 =	vld.idx.msk [tilespmem:v4+s25+$0x0], $0xffff  }
0x2db: {  	v2 =	vadd.f32 v3, v2;
	v3 =	vmul.f32 v6, v13;
	v4 =	vld.idx.msk [tilespmem:v4+s26+$0x0], $0xffff;
	_ =	sdelay $0x1  }
0x2dc: {  	v2 =	vadd.f32 v3, v2;
	v3 =	vmul.f32 v8, v7;
	_ =	sdelay $0x1  }
0x2dd: {  	s4 =	sadd.s32 $0x10, s4;
	v2 =	vadd.f32 v3, v2;
	v3 =	vmul.f32 v5, v9  }
0x2de: {  	v5 =	vld [tilespmem:s4+$0x0]  }
0x2df: {  	s1 =	sadd.s32 $0x10, s1;
	v3 =	vadd.f32 v3, v2;
	v4 =	vmul.f32 v4, v10  }
.Ltmp3:
0x2e0: {  	v2 =	vld [tilespmem:s1+$0x0];
	(pc) =	sbr.rel @p0 .LBB2_8-.Ltmp3, $3  }
0x2e1: {  	v3 =	vadd.f32 v4, v3;
	_ =	sdelay $0x1  }
0x2e2: {  	v4 =	vmov s2;
	v3 =	vadd.f32 v3, v5  }
0x2e3: {  	s2 =	sadd.s32 $0x10, s2;
	v4 =	vshll.u32 v4, $0x7  }
0x2e4: {  	v4 =	vor.u32 v0, v4;
	v2 =	vadd.f32 v3, v2;
	_ =	sdelay $0x1  }
0x2e5: {  	v3 =	vor.u32 $0x1, v4;
	v2 =	vadd.f32 v2, v1  }
0x2e6: {  	s0 =	sadd.s32 $0x10, s0  }
0x2e7: {  	v5 =	vor.u32 $0x2, v4;
	[tilespmem:s0+$0x0] =	vst v2  }
0x2e8: {  	v2 =	vld.idx.msk [tilespmem:v4+s26+$0x0], $0xffff  }
0x2e9: {  	v7 =	vor.u32 $0x3, v4;
	v6 =	vld.idx.msk [tilespmem:v4+s25+$0x0], $0xffff  }
0x2ea: {  	v8 =	vld.idx.msk [tilespmem:v3+s25+$0x0], $0xffff  }
0x2eb: {  	v9 =	vor.u32 $0x4, v4;
	v3 =	vld.idx.msk [tilespmem:v3+s26+$0x0], $0xffff  }
0x2ec: {  	v10 =	vld.idx.msk [tilespmem:v5+s25+$0x0], $0xffff  }
0x2ed: {  	v11 =	vor.u32 $0x5, v4;
	v5 =	vld.idx.msk [tilespmem:v5+s26+$0x0], $0xffff  }
0x2ee: {  	v12 =	vld.idx.msk [tilespmem:v7+s25+$0x0], $0xffff;
	v2 =	vmul.f32 v2, v6  }
0x2ef: {  	v32 =	vor.u32 $0x6, v4;
	v31 =	vld.idx.msk [tilespmem:v7+s26+$0x0], $0xffff  }
0x2f0: {  	v13 =	vld.idx.msk [tilespmem:v9+s25+$0x0], $0xffff;
	v3 =	vmul.f32 v3, v8;
	v2 =	vadd.f32 $0.0e+00, v2  }
0x2f1: {  	v34 =	vor.u32 $0x7, v4;
	v33 =	vld.idx.msk [tilespmem:v9+s26+$0x0], $0xffff  }
0x2f2: {  	v14 =	vld.idx.msk [tilespmem:v11+s25+$0x0], $0xffff;
	v2 =	vadd.f32 v3, v2;
	v3 =	vmul.f32 v5, v10  }
0x2f3: {  	v36 =	vor.u32 $0x8, v4;
	v35 =	vld.idx.msk [tilespmem:v11+s26+$0x0], $0xffff  }
0x2f4: {  	v37 =	vld.idx.msk [tilespmem:v32+s25+$0x0], $0xffff;
	v2 =	vadd.f32 v3, v2;
	v3 =	vmul.f32 v31, v12  }
0x2f5: {  	v39 =	vor.u32 $0x9, v4;
	v38 =	vld.idx.msk [tilespmem:v32+s26+$0x0], $0xffff  }
0x2f6: {  	v40 =	vld.idx.msk [tilespmem:v34+s25+$0x0], $0xffff;
	v2 =	vadd.f32 v3, v2;
	v3 =	vmul.f32 v33, v13  }
0x2f7: {  	v42 =	vor.u32 $0xA, v4;
	v41 =	vld.idx.msk [tilespmem:v34+s26+$0x0], $0xffff  }
0x2f8: {  	v43 =	vld.idx.msk [tilespmem:v36+s25+$0x0], $0xffff;
	v2 =	vadd.f32 v3, v2;
	v3 =	vmul.f32 v35, v14  }
0x2f9: {  	v45 =	vor.u32 $0xB, v4;
	v44 =	vld.idx.msk [tilespmem:v36+s26+$0x0], $0xffff  }
0x2fa: {  	v46 =	vld.idx.msk [tilespmem:v39+s25+$0x0], $0xffff;
	v2 =	vadd.f32 v3, v2;
	v3 =	vmul.f32 v38, v37  }
0x2fb: {  	v48 =	vor.u32 $0xC, v4;
	v47 =	vld.idx.msk [tilespmem:v39+s26+$0x0], $0xffff  }
0x2fc: {  	v49 =	vld.idx.msk [tilespmem:v42+s25+$0x0], $0xffff;
	v2 =	vadd.f32 v3, v2;
	v3 =	vmul.f32 v41, v40  }
0x2fd: {  	v51 =	vor.u32 $0xD, v4;
	v50 =	vld.idx.msk [tilespmem:v42+s26+$0x0], $0xffff  }
0x2fe: {  	v52 =	vld.idx.msk [tilespmem:v45+s25+$0x0], $0xffff;
	v2 =	vadd.f32 v3, v2;
	v3 =	vmul.f32 v44, v43  }
0x2ff: {  	v54 =	vor.u32 $0xE, v4;
	v53 =	vld.idx.msk [tilespmem:v45+s26+$0x0], $0xffff  }
0x300: {  	v55 =	vld.idx.msk [tilespmem:v48+s25+$0x0], $0xffff;
	v2 =	vadd.f32 v3, v2;
	v3 =	vmul.f32 v47, v46  }
0x301: {  	v4 =	vor.u32 $0xF, v4;
	v56 =	vld.idx.msk [tilespmem:v48+s26+$0x0], $0xffff  }
0x302: {  	v57 =	vld.idx.msk [tilespmem:v51+s25+$0x0], $0xffff;
	v2 =	vadd.f32 v3, v2;
	v3 =	vmul.f32 v50, v49  }
0x303: {  	v58 =	vld.idx.msk [tilespmem:v51+s26+$0x0], $0xffff  }
0x304: {  	v59 =	vld.idx.msk [tilespmem:v54+s25+$0x0], $0xffff;
	v2 =	vadd.f32 v3, v2;
	v3 =	vmul.f32 v53, v52  }
0x305: {  	v60 =	vld.idx.msk [tilespmem:v54+s26+$0x0], $0xffff  }
0x306: {  	v61 =	vld.idx.msk [tilespmem:v4+s25+$0x0], $0xffff;
	v2 =	vadd.f32 v3, v2;
	v3 =	vmul.f32 v56, v55  }
0x307: {  	v4 =	vld.idx.msk [tilespmem:v4+s26+$0x0], $0xffff  }
0x308: {  	v2 =	vadd.f32 v3, v2;
	v3 =	vmul.f32 v58, v57;
	_ =	sdelay $0x1  }
0x309: {  	s2 =	sadd.s32 $0x10, s4;
	v2 =	vadd.f32 v3, v2;
	v3 =	vmul.f32 v60, v59  }
0x30a: {  	v62 =	vld [tilespmem:s2+$0x0]  }
0x30b: {  	s1 =	sadd.s32 $0x10, s1;
	v2 =	vadd.f32 v3, v2;
	v3 =	vmul.f32 v4, v61  }
0x30c: {  	v63 =	vld [tilespmem:s1+$0x0]  }
0x30d: {  	v2 =	vadd.f32 v3, v2;
	_ =	sdelay $0x1  }
0x30e: {  	v2 =	vadd.f32 v2, v62;
	_ =	sdelay $0x1  }
0x30f: {  	v2 =	vadd.f32 v2, v63;
	_ =	sdelay $0x1  }
0x310: {  	s31 =	sadd.s32 $0x1, s31;
	v1 =	vadd.f32 v2, v1  }
0x311: {  	p0 =	sne.s32 s31, s17;
	s0 =	sadd.s32 $0x10, s0  }
.Ltmp4:
0x312: {  	[tilespmem:s0+$0x0] =	vst v1;
	(pc) =	sbr.rel @p0 .LBB2_1-.Ltmp4, $4  }
0x313: {  	[hbm4b:s16+s5] =	stream.linear.scatter [tilespmem:s30], [sflag:$0x4], $0x200, $0x38;
	[tilespmem:$0x10A80] =	vst v63  }
0x314: {  	_ =	swait.ge [sflag:s19], $0x200  }
0x315: {  	[sflag:s19] =	ssyncset.done $0x0  }
0x316: {  	[sflag:s19] =	ssyncadd.s32 $0xFFFFFE00  }
0x317: {  	_ =	sfence.sel $0x180000  }
0x318: {  	[bflag:$0x0] =	sbarrier.arrive $0xFFFF  }
0x319: {  	_ =	strace $0x90000047  }
0x31a: {  	s0 =	stileid.u32;
	[bflag:$0x2] =	sbarrier.arrive $0xFFFF  }
0x31b: {  	p0 =	sne.s32 s0, $0x0;
	s0 =	rddreg [dreg:$0x7]  }
0x31c: {  	s0 =	sadd.s32 @!p0 $0x100000, s0  }
0x31d: {  	[sflag:s0] =	ssyncadd.tile.s32 @!p0 $0x1;
	_ =	shalt  }
.Lfunc_end2:
_tile_overlayer_lowered:
.L_overlay_start_2:
0x31e: {  	(tag) =	ssettag $0x2  }
0x31f: {  	s0 =	rddreg [dreg:$0x0];
	s2 =	stileid.u32  }
0x320: {  	s1 =	rddreg [dreg:$0x1];
	p0 =	sne.s32 s2, $0x0  }
0x321: {  	s3 =	rddreg [dreg:$0x2];
	[bflag:$0x3] =	sbarrier.arrive $0xFFFF;
	s2 =	simm.s32 @!p0 $0x1C04  }
0x322: {  	[timem:s3], [sflag:s2] =	dma.local @!p0 [hbm:s0], s1  }
0x323: {  	s0 =	simm.s32 @!p0 $0x4  }
0x324: {  	_ =	swait.ge @!p0 [sflag:s0], s1  }
0x325: {  	s1 =	ssub.s32 @!p0 $0x0, s1;
	[sflag:s0] =	ssyncset.done @!p0 $0x0  }
0x326: {  	[sflag:s0] =	ssyncadd.s32 @!p0 s1  }
0x327: {  	[bflag:$0x3] =	sbarrier.arrive $0xFFFF  }
0x328: {  	_ =	shalt  }

</sc_bundles>
